<compile_context>
chip_gen: v7x
topology: tpu7x:2x2x1
jax: 0.10.2.dev20260603
libtpu: 0.0.44.dev20260713+nightly
codegen_flags: <defaults>
</compile_context>

<pallas_src>
import functools

import jax
import jax.numpy as jnp
from jax import lax
from jax.experimental import pallas as pl
from jax.experimental.pallas import tpu as pltpu
from jax.experimental.pallas import tpu_sc as plsc

K_CODES = 8192
D_DIM = 32
N_VECS = 8192
COMMIT = 0.25

_BM = 1024
_BC = 8192
_I32_MAX = 2147483647



def _argmin_body(x_ref, sx_ref, w_ref, sw_ref, idx_ref):
    xb = x_ref[...]
    sx = sx_ref[...]

    def chunk(j, carry):
        bv, bi = carry
        wc = w_ref[pl.ds(j * _BC, _BC), :]
        mm = lax.dot_general(
            xb, wc, (((1,), (1,)), ((), ())),
            preferred_element_type=jnp.float32,
            precision=lax.Precision.DEFAULT)
        t = sx + sw_ref[:, pl.ds(j * _BC, _BC)]
        d = t - 2.0 * mm
        cmin = jnp.min(d, axis=1, keepdims=True)
        ids = lax.broadcasted_iota(jnp.int32, (_BM, _BC), 1) + j * _BC
        cidx = jnp.min(jnp.where(d == cmin, ids, _I32_MAX),
                       axis=1, keepdims=True)
        take = cmin < bv
        return jnp.where(take, cmin, bv), jnp.where(take, cidx, bi)

    bv0 = jnp.full((_BM, 1), jnp.inf, jnp.float32)
    bi0 = jnp.zeros((_BM, 1), jnp.int32)
    _, bi = lax.fori_loop(0, K_CODES // _BC, chunk, (bv0, bi0))
    idx_ref[...] = bi


def _run_argmin(flat_x, sx, w, sw_row):
    grid = N_VECS // _BM
    return pl.pallas_call(
        _argmin_body,
        grid=(grid,),
        in_specs=[
            pl.BlockSpec((_BM, D_DIM), lambda i: (i, 0)),
            pl.BlockSpec((_BM, 1), lambda i: (i, 0)),
            pl.BlockSpec((K_CODES, D_DIM), lambda i: (0, 0)),
            pl.BlockSpec((1, K_CODES), lambda i: (0, 0)),
        ],
        out_specs=pl.BlockSpec((_BM, 1), lambda i: (i, 0)),
        out_shape=jax.ShapeDtypeStruct((N_VECS, 1), jnp.int32),
    )(flat_x, sx, w, sw_row)



_NC = 2
_NS = 16
_NW = _NC * _NS
_BPW = N_VECS // _NW
_SLC = K_CODES // _NS


def _sc_body(x_hbm, wpad_hbm, idx_hbm, qst_hbm, counts_hbm, msep_hbm,
             idx_v, rows_v, x_v, qst_v, buf_v, ones_v, acc_v, shared, sem):
    cid = lax.axis_index("c")
    sid = lax.axis_index("s")
    wid = sid * _NC + cid
    base = wid * _BPW

    pltpu.sync_copy(idx_hbm.at[wid], idx_v)
    for j in range(2):
        pltpu.async_copy(wpad_hbm.at[idx_v.at[j]],
                         rows_v.at[pl.ds(j * 128, 128)], sem).wait()
    pltpu.sync_copy(x_hbm.at[pl.ds(base, _BPW)], x_v)

    for i in range(_SLC // 16):
        buf_v[pl.ds(i * 16, 16)] = jnp.zeros((16,), jnp.float32)
    for i in range(8):
        ones_v[pl.ds(i * 16, 16)] = jnp.ones((16,), jnp.float32)

    pltpu.sync_copy(buf_v.at[pl.ds(0, _SLC)], shared.at[pl.ds(sid * _SLC, _SLC)])
    plsc.subcore_barrier()
    for j in range(2):
        pltpu.sync_copy(ones_v, shared.at[idx_v.at[j]], add=True)

    def row(r, acc):
        for h in range(D_DIM // 16):
            w16 = rows_v[r, pl.ds(h * 16, 16)]
            x16 = x_v[r, pl.ds(h * 16, 16)]
            u = lax.bitcast_convert_type(w16, jnp.int32)
            u = u + jnp.int32(32767) + jnp.bitwise_and(
                lax.shift_right_logical(u, jnp.int32(16)), jnp.int32(1))
            u = jnp.bitwise_and(u, jnp.int32(-65536))
            wr = lax.bitcast_convert_type(u, jnp.float32)
            t = wr - x16
            qst_v[r, pl.ds(h * 16, 16)] = x16 + t
            acc = acc + t * t
        return acc

    acc = lax.fori_loop(0, _BPW, row, jnp.zeros((16,), jnp.float32))
    for i in range(8):
        acc_v[pl.ds(i * 16, 16)] = jnp.zeros((16,), jnp.float32)
    acc_v[pl.ds(0, 16)] = acc
    pltpu.sync_copy(acc_v, msep_hbm.at[wid])
    pltpu.sync_copy(qst_v, qst_hbm.at[pl.ds(base, _BPW)])

    plsc.subcore_barrier()
    pltpu.sync_copy(shared.at[pl.ds(sid * _SLC, _SLC)], buf_v.at[pl.ds(0, _SLC)])
    pltpu.sync_copy(buf_v.at[pl.ds(0, _SLC)], counts_hbm.at[cid, pl.ds(sid * _SLC, _SLC)])


def _run_sc(flat_x, w_pad, idx3):
    mesh = plsc.VectorSubcoreMesh(core_axis_name="c", subcore_axis_name="s")
    f = functools.partial(
        pl.kernel,
        mesh=mesh,
        out_type=[
            jax.ShapeDtypeStruct((N_VECS, D_DIM), jnp.float32),
            jax.ShapeDtypeStruct((_NC, K_CODES), jnp.float32),
            jax.ShapeDtypeStruct((_NW, 128), jnp.float32),
        ],
        scratch_types=[
            pltpu.VMEM((2, 128), jnp.int32),
            pltpu.VMEM((_BPW, 128), jnp.float32),
            pltpu.VMEM((_BPW, D_DIM), jnp.float32),
            pltpu.VMEM((_BPW, D_DIM), jnp.float32),
            pltpu.VMEM((_SLC,), jnp.float32),
            pltpu.VMEM((128,), jnp.float32),
            pltpu.VMEM((128,), jnp.float32),
            pltpu.VMEM_SHARED((K_CODES,), jnp.float32),
            pltpu.SemaphoreType.DMA,
        ],
    )(_sc_body)
    return f(flat_x, w_pad, idx3)



def _loss_body(counts_ref, msep_ref, out_ref):
    c = counts_ref[...]
    cnt = c[0:1, :] + c[1:2, :]
    p = cnt * jnp.float32(1.0 / N_VECS)
    ent = -jnp.sum(p * jnp.log(p + 1e-10))
    div = jnp.sum((p - jnp.float32(1.0 / K_CODES)) ** 2)
    kl = jnp.sum(p * jnp.log(p * jnp.float32(K_CODES) + 1e-10))
    mse = jnp.sum(msep_ref[...]) * jnp.float32(1.0 / (N_VECS * D_DIM))
    loss = mse + jnp.float32(COMMIT) * mse
    out_ref[...] = jnp.broadcast_to(loss - ent + div + kl, (1, 1))


def _run_loss(counts, msep):
    return pl.pallas_call(
        _loss_body,
        out_shape=jax.ShapeDtypeStruct((1, 1), jnp.float32),
    )(counts, msep)



def kernel(x, W):
    flat_x = x.reshape(-1, D_DIM)
    sx = jnp.sum(flat_x ** 2, axis=1, keepdims=True)
    sw = jnp.sum(W ** 2, axis=1)
    idx2 = _run_argmin(flat_x, sx, W, sw.reshape(1, K_CODES))
    w_pad = jnp.pad(W, ((0, 0), (0, 128 - D_DIM)))
    idx3 = idx2.reshape(_NW, 2, 128)
    qst, counts, msep = _run_sc(flat_x, w_pad, idx3)
    total = _run_loss(counts, msep)
    return qst.reshape(x.shape), total.reshape(())

# --- scband reference (transcript-rebuilt; emitter-appended) ---
"""Pipeline reference for scband-vector-quantizer-ema-12927851561031 (READ-ONLY COPY).

The authoritative reference and input builder live on the scoring server;
editing this copy changes nothing except your own understanding.
"""

import jax, jax.numpy as jnp
import numpy as np

NUM_EMBEDDINGS = 8192
EMBEDDING_DIM = 32
COMMITMENT_COST = 0.25


def setup_inputs(seed: int = 0) -> dict:
    key = jax.random.key(seed)
    k1, k2 = jax.random.split(key)
    x = jax.random.normal(k1, (8, 1024, EMBEDDING_DIM), dtype=jnp.float32)
    # embeddings.weight.data.uniform_(-1/K, 1/K)
    W = jax.random.uniform(
        k2, (NUM_EMBEDDINGS, EMBEDDING_DIM), dtype=jnp.float32,
        minval=-1.0 / NUM_EMBEDDINGS, maxval=1.0 / NUM_EMBEDDINGS)
    return {"x": x, "W": W}


def reference(x, W):
    K, D = W.shape
    flat_x = x.reshape(-1, D)
    distances = (jnp.sum(flat_x ** 2, axis=1, keepdims=True)
                 + jnp.sum(W ** 2, axis=1)
                 - 2.0 * jnp.matmul(flat_x, W.T))
    encoding_indices = jnp.argmin(distances, axis=1)
    encodings = jax.nn.one_hot(encoding_indices, K, dtype=x.dtype)
    quantized = jnp.matmul(encodings, W).reshape(x.shape)
    e_latent_loss = jnp.mean((jax.lax.stop_gradient(quantized) - x) ** 2)
    q_latent_loss = jnp.mean((quantized - jax.lax.stop_gradient(x)) ** 2)
    loss = q_latent_loss + COMMITMENT_COST * e_latent_loss
    probabilities = encodings.mean(axis=0)
    entropy_reg = -jnp.sum(probabilities * jnp.log(probabilities + 1e-10))
    diversity_reg = jnp.sum((probabilities - 1.0 / K) ** 2)
    kl_div_reg = jnp.sum(probabilities * jnp.log(probabilities * K + 1e-10))
    total_loss = loss - entropy_reg + diversity_reg + kl_div_reg
    quantized_st = x + jax.lax.stop_gradient(quantized - x)
    return (quantized_st, total_loss)

if __name__ == "__main__":
    import jax
    _d = setup_inputs()
    print(jax.jit(kernel)(*tuple(_d.values())))

</pallas_src>

<mosaic_0001>
#map = affine_map<(d0, d1) -> (0, 0)>
#map1 = affine_map<(d0, d1) -> (0, 0, 0)>
module attributes {stable_mosaic.version = 14 : i64} {
  func.func @_sc_body(%arg0: i32, %arg1: i32, %arg2: memref<8192x32xf32, #tpu.memory_space<hbm>>, %arg3: memref<8192x128xf32, #tpu.memory_space<hbm>>, %arg4: memref<32x2x128xi32, #tpu.memory_space<hbm>>, %arg5: memref<8192x32xf32, #tpu.memory_space<hbm>>, %arg6: memref<2x8192xf32, #tpu.memory_space<hbm>>, %arg7: memref<32x128xf32, #tpu.memory_space<hbm>>, %arg8: memref<2x128xi32, #tpu.memory_space<vmem>>, %arg9: memref<256x128xf32, #tpu.memory_space<vmem>>, %arg10: memref<256x32xf32, #tpu.memory_space<vmem>>, %arg11: memref<256x32xf32, #tpu.memory_space<vmem>>, %arg12: memref<512xf32, #tpu.memory_space<vmem>>, %arg13: memref<128xf32, #tpu.memory_space<vmem>>, %arg14: memref<128xf32, #tpu.memory_space<vmem>>, %arg15: memref<8192xf32, #tpu.memory_space<vmem_shared>>, %arg16: memref<!tpu.dma_semaphore, #tpu.memory_space<semaphore_mem>>) attributes {dimension_semantics = [#tpu.dimension_semantics<core_parallel>, #tpu.dimension_semantics<subcore_parallel>], iteration_bounds = array<i64: 2, 16>, scalar_prefetch = 0 : i64, scratch_operands = 9 : i64, tpu.core_type = #tpu.core_type<sc_vector_subcore>, window_params = [{transform_indices = #map}, {transform_indices = #map}, {transform_indices = #map1}, {transform_indices = #map}, {transform_indices = #map}, {transform_indices = #map}]} {
    %mul3A = arith.constant 2 : i32
    %mul3A_0 = arith.muli %arg1, %mul3A : i32
    %add3A = arith.addi %mul3A_0, %arg0 : i32
    %mul3A_1 = arith.constant 256 : i32
    %mul3A_2 = arith.muli %add3A, %mul3A_1 : i32
    "tpu.region"() ({
      %run_scoped3A_346 = tpu.sem_alloc : memref<!tpu.dma_semaphore, #tpu.memory_space<semaphore_mem>>
      %dma_start3A_347 = arith.constant 0 : i32
      %dma_start3A_348 = arith.constant 0 : i32
      %dma_start3A_349 = tpu.memref_slice %arg4[%add3A, %dma_start3A_347, %dma_start3A_348] : memref<32x2x128xi32, #tpu.memory_space<hbm>> -> memref<1x2x128xi32, #tpu.memory_space<hbm>>
      %dma_start3A_350 = tpu.memref_squeeze %dma_start3A_349 : memref<1x2x128xi32, #tpu.memory_space<hbm>> -> memref<2x128xi32, #tpu.memory_space<hbm>>
      %dma_start3A_351 = arith.constant 0 : i32
      %dma_start3A_352 = arith.constant 0 : i32
      %dma_start3A_353 = tpu.memref_slice %arg4[%add3A, %dma_start3A_351, %dma_start3A_352] : memref<32x2x128xi32, #tpu.memory_space<hbm>> -> memref<1x2x128xi32, #tpu.memory_space<hbm>>
      %dma_start3A_354 = tpu.memref_squeeze %dma_start3A_353 : memref<1x2x128xi32, #tpu.memory_space<hbm>> -> memref<2x128xi32, #tpu.memory_space<hbm>>
      tpu.enqueue_dma source(%dma_start3A_354 : memref<2x128xi32, #tpu.memory_space<hbm>>) target(%arg8 : memref<2x128xi32, #tpu.memory_space<vmem>>) target_semaphore(%run_scoped3A_346 : memref<!tpu.dma_semaphore, #tpu.memory_space<semaphore_mem>>)
      %dma_wait3A_355 = arith.constant 0 : i32
      %dma_wait3A_356 = arith.constant 0 : i32
      %dma_wait3A_357 = tpu.memref_slice %arg4[%add3A, %dma_wait3A_355, %dma_wait3A_356] : memref<32x2x128xi32, #tpu.memory_space<hbm>> -> memref<1x2x128xi32, #tpu.memory_space<hbm>>
      %dma_wait3A_358 = tpu.memref_squeeze %dma_wait3A_357 : memref<1x2x128xi32, #tpu.memory_space<hbm>> -> memref<2x128xi32, #tpu.memory_space<hbm>>
      %dma_wait3A_359 = arith.constant 0 : i32
      %dma_wait3A_360 = arith.constant 0 : i32
      %dma_wait3A_361 = tpu.memref_slice %arg4[%add3A, %dma_wait3A_359, %dma_wait3A_360] : memref<32x2x128xi32, #tpu.memory_space<hbm>> -> memref<1x2x128xi32, #tpu.memory_space<hbm>>
      %dma_wait3A_362 = tpu.memref_squeeze %dma_wait3A_361 : memref<1x2x128xi32, #tpu.memory_space<hbm>> -> memref<2x128xi32, #tpu.memory_space<hbm>>
      tpu.wait_dma2 semaphore(%run_scoped3A_346 : memref<!tpu.dma_semaphore, #tpu.memory_space<semaphore_mem>>) src(%dma_wait3A_362 : memref<2x128xi32, #tpu.memory_space<hbm>>) dst(%arg8 : memref<2x128xi32, #tpu.memory_space<vmem>>)
      tpu.yield
    }) : () -> ()
    %dma_start3A = arith.constant 0 : i32
    %dma_start3A_3 = arith.constant 0 : i32
    %dma_start3A_4 = arith.constant 0 : i32
    %dma_start3A_5 = tpu.memref_slice %arg9[%dma_start3A_3, %dma_start3A_4] : memref<256x128xf32, #tpu.memory_space<vmem>> -> memref<128x128xf32, #tpu.memory_space<vmem>>
    %dma_start3A_6 = arith.constant 0 : i32
    %dma_start3A_7 = tpu.memref_slice %arg8[%dma_start3A, %dma_start3A_6] : memref<2x128xi32, #tpu.memory_space<vmem>> -> memref<1x128xi32, #tpu.memory_space<vmem>>
    %dma_start3A_8 = tpu.memref_squeeze %dma_start3A_7 : memref<1x128xi32, #tpu.memory_space<vmem>> -> memref<128xi32, #tpu.memory_space<vmem>>
    %dma_start3A_9 = arith.constant 0 : i32
    %dma_start3A_10 = arith.constant 0 : i32
    %dma_start3A_11 = tpu.memref_slice %arg3[%dma_start3A_9, %dma_start3A_10] : memref<8192x128xf32, #tpu.memory_space<hbm>> -> memref<8192x128xf32, #tpu.memory_space<hbm>>
    tpu.enqueue_indirect_dma source(%dma_start3A_11 : memref<8192x128xf32, #tpu.memory_space<hbm>>) target(%dma_start3A_5 : memref<128x128xf32, #tpu.memory_space<vmem>>) offsets(%dma_start3A_8 : memref<128xi32, #tpu.memory_space<vmem>>) semaphore(%arg16 : memref<!tpu.dma_semaphore, #tpu.memory_space<semaphore_mem>>)
    %dma_wait3A = arith.constant 0 : i32
    %dma_wait3A_12 = arith.constant 0 : i32
    %dma_wait3A_13 = arith.constant 0 : i32
    %dma_wait3A_14 = tpu.memref_slice %arg9[%dma_wait3A_12, %dma_wait3A_13] : memref<256x128xf32, #tpu.memory_space<vmem>> -> memref<128x128xf32, #tpu.memory_space<vmem>>
    %dma_wait3A_15 = arith.constant 0 : i32
    %dma_wait3A_16 = tpu.memref_slice %arg8[%dma_wait3A, %dma_wait3A_15] : memref<2x128xi32, #tpu.memory_space<vmem>> -> memref<1x128xi32, #tpu.memory_space<vmem>>
    %dma_wait3A_17 = tpu.memref_squeeze %dma_wait3A_16 : memref<1x128xi32, #tpu.memory_space<vmem>> -> memref<128xi32, #tpu.memory_space<vmem>>
    %dma_wait3A_18 = arith.constant 0 : i32
    %dma_wait3A_19 = arith.constant 0 : i32
    %dma_wait3A_20 = tpu.memref_slice %arg3[%dma_wait3A_18, %dma_wait3A_19] : memref<8192x128xf32, #tpu.memory_space<hbm>> -> memref<8192x128xf32, #tpu.memory_space<hbm>>
    tpu.wait_indirect_dma semaphore(%arg16 : memref<!tpu.dma_semaphore, #tpu.memory_space<semaphore_mem>>) src(%dma_wait3A_20 : memref<8192x128xf32, #tpu.memory_space<hbm>>) dst(%dma_wait3A_14 : memref<128x128xf32, #tpu.memory_space<vmem>>)
    %dma_start3A_21 = arith.constant 1 : i32
    %dma_start3A_22 = arith.constant 128 : i32
    %dma_start3A_23 = arith.constant 0 : i32
    %dma_start3A_24 = tpu.memref_slice %arg9[%dma_start3A_22, %dma_start3A_23] : memref<256x128xf32, #tpu.memory_space<vmem>> -> memref<128x128xf32, #tpu.memory_space<vmem>>
    %dma_start3A_25 = arith.constant 0 : i32
    %dma_start3A_26 = tpu.memref_slice %arg8[%dma_start3A_21, %dma_start3A_25] : memref<2x128xi32, #tpu.memory_space<vmem>> -> memref<1x128xi32, #tpu.memory_space<vmem>>
    %dma_start3A_27 = tpu.memref_squeeze %dma_start3A_26 : memref<1x128xi32, #tpu.memory_space<vmem>> -> memref<128xi32, #tpu.memory_space<vmem>>
    %dma_start3A_28 = arith.constant 0 : i32
    %dma_start3A_29 = arith.constant 0 : i32
    %dma_start3A_30 = tpu.memref_slice %arg3[%dma_start3A_28, %dma_start3A_29] : memref<8192x128xf32, #tpu.memory_space<hbm>> -> memref<8192x128xf32, #tpu.memory_space<hbm>>
    tpu.enqueue_indirect_dma source(%dma_start3A_30 : memref<8192x128xf32, #tpu.memory_space<hbm>>) target(%dma_start3A_24 : memref<128x128xf32, #tpu.memory_space<vmem>>) offsets(%dma_start3A_27 : memref<128xi32, #tpu.memory_space<vmem>>) semaphore(%arg16 : memref<!tpu.dma_semaphore, #tpu.memory_space<semaphore_mem>>)
    %dma_wait3A_31 = arith.constant 1 : i32
    %dma_wait3A_32 = arith.constant 128 : i32
    %dma_wait3A_33 = arith.constant 0 : i32
    %dma_wait3A_34 = tpu.memref_slice %arg9[%dma_wait3A_32, %dma_wait3A_33] : memref<256x128xf32, #tpu.memory_space<vmem>> -> memref<128x128xf32, #tpu.memory_space<vmem>>
    %dma_wait3A_35 = arith.constant 0 : i32
    %dma_wait3A_36 = tpu.memref_slice %arg8[%dma_wait3A_31, %dma_wait3A_35] : memref<2x128xi32, #tpu.memory_space<vmem>> -> memref<1x128xi32, #tpu.memory_space<vmem>>
    %dma_wait3A_37 = tpu.memref_squeeze %dma_wait3A_36 : memref<1x128xi32, #tpu.memory_space<vmem>> -> memref<128xi32, #tpu.memory_space<vmem>>
    %dma_wait3A_38 = arith.constant 0 : i32
    %dma_wait3A_39 = arith.constant 0 : i32
    %dma_wait3A_40 = tpu.memref_slice %arg3[%dma_wait3A_38, %dma_wait3A_39] : memref<8192x128xf32, #tpu.memory_space<hbm>> -> memref<8192x128xf32, #tpu.memory_space<hbm>>
    tpu.wait_indirect_dma semaphore(%arg16 : memref<!tpu.dma_semaphore, #tpu.memory_space<semaphore_mem>>) src(%dma_wait3A_40 : memref<8192x128xf32, #tpu.memory_space<hbm>>) dst(%dma_wait3A_34 : memref<128x128xf32, #tpu.memory_space<vmem>>)
    "tpu.region"() ({
      %run_scoped3A_346 = tpu.sem_alloc : memref<!tpu.dma_semaphore, #tpu.memory_space<semaphore_mem>>
      %dma_start3A_347 = arith.constant 0 : i32
      %dma_start3A_348 = tpu.memref_slice %arg2[%mul3A_2, %dma_start3A_347] : memref<8192x32xf32, #tpu.memory_space<hbm>> -> memref<256x32xf32, #tpu.memory_space<hbm>>
      %dma_start3A_349 = arith.constant 0 : i32
      %dma_start3A_350 = tpu.memref_slice %arg2[%mul3A_2, %dma_start3A_349] : memref<8192x32xf32, #tpu.memory_space<hbm>> -> memref<256x32xf32, #tpu.memory_space<hbm>>
      tpu.enqueue_dma source(%dma_start3A_350 : memref<256x32xf32, #tpu.memory_space<hbm>>) target(%arg10 : memref<256x32xf32, #tpu.memory_space<vmem>>) target_semaphore(%run_scoped3A_346 : memref<!tpu.dma_semaphore, #tpu.memory_space<semaphore_mem>>)
      %dma_wait3A_351 = arith.constant 0 : i32
      %dma_wait3A_352 = tpu.memref_slice %arg2[%mul3A_2, %dma_wait3A_351] : memref<8192x32xf32, #tpu.memory_space<hbm>> -> memref<256x32xf32, #tpu.memory_space<hbm>>
      %dma_wait3A_353 = arith.constant 0 : i32
      %dma_wait3A_354 = tpu.memref_slice %arg2[%mul3A_2, %dma_wait3A_353] : memref<8192x32xf32, #tpu.memory_space<hbm>> -> memref<256x32xf32, #tpu.memory_space<hbm>>
      tpu.wait_dma2 semaphore(%run_scoped3A_346 : memref<!tpu.dma_semaphore, #tpu.memory_space<semaphore_mem>>) src(%dma_wait3A_354 : memref<256x32xf32, #tpu.memory_space<hbm>>) dst(%arg10 : memref<256x32xf32, #tpu.memory_space<vmem>>)
      tpu.yield
    }) : () -> ()
    %broadcast_in_dim3A = arith.constant 0.000000e+00 : f32
    %broadcast_in_dim3A_41 = vector.broadcast %broadcast_in_dim3A : f32 to vector<16xf32>
    %swap3A = arith.constant 0 : index
    %swap3A_42 = tpu.vector_load %arg12[%swap3A] {strides = array<i32>} : memref<512xf32, #tpu.memory_space<vmem>>, vector<16xf32>,
    %swap3A_43 = vector.shape_cast %swap3A_42 : vector<16xf32> to vector<16xf32>
    %swap3A_44 = vector.shape_cast %broadcast_in_dim3A_41 : vector<16xf32> to vector<16xf32>
    tpu.vector_store %arg12[%swap3A], %swap3A_44 {strides = array<i32>} : memref<512xf32, #tpu.memory_space<vmem>>, vector<16xf32>,
    %broadcast_in_dim3A_45 = arith.constant 0.000000e+00 : f32
    %broadcast_in_dim3A_46 = vector.broadcast %broadcast_in_dim3A_45 : f32 to vector<16xf32>
    %swap3A_47 = arith.constant 16 : index
    %swap3A_48 = tpu.vector_load %arg12[%swap3A_47] {strides = array<i32>} : memref<512xf32, #tpu.memory_space<vmem>>, vector<16xf32>,
    %swap3A_49 = vector.shape_cast %swap3A_48 : vector<16xf32> to vector<16xf32>
    %swap3A_50 = vector.shape_cast %broadcast_in_dim3A_46 : vector<16xf32> to vector<16xf32>
    tpu.vector_store %arg12[%swap3A_47], %swap3A_50 {strides = array<i32>} : memref<512xf32, #tpu.memory_space<vmem>>, vector<16xf32>,
    %broadcast_in_dim3A_51 = arith.constant 0.000000e+00 : f32
    %broadcast_in_dim3A_52 = vector.broadcast %broadcast_in_dim3A_51 : f32 to vector<16xf32>
    %swap3A_53 = arith.constant 32 : index
    %swap3A_54 = tpu.vector_load %arg12[%swap3A_53] {strides = array<i32>} : memref<512xf32, #tpu.memory_space<vmem>>, vector<16xf32>,
    %swap3A_55 = vector.shape_cast %swap3A_54 : vector<16xf32> to vector<16xf32>
    %swap3A_56 = vector.shape_cast %broadcast_in_dim3A_52 : vector<16xf32> to vector<16xf32>
    tpu.vector_store %arg12[%swap3A_53], %swap3A_56 {strides = array<i32>} : memref<512xf32, #tpu.memory_space<vmem>>, vector<16xf32>,
    %broadcast_in_dim3A_57 = arith.constant 0.000000e+00 : f32
    %broadcast_in_dim3A_58 = vector.broadcast %broadcast_in_dim3A_57 : f32 to vector<16xf32>
    %swap3A_59 = arith.constant 48 : index
    %swap3A_60 = tpu.vector_load %arg12[%swap3A_59] {strides = array<i32>} : memref<512xf32, #tpu.memory_space<vmem>>, vector<16xf32>,
    %swap3A_61 = vector.shape_cast %swap3A_60 : vector<16xf32> to vector<16xf32>
    %swap3A_62 = vector.shape_cast %broadcast_in_dim3A_58 : vector<16xf32> to vector<16xf32>
    tpu.vector_store %arg12[%swap3A_59], %swap3A_62 {strides = array<i32>} : memref<512xf32, #tpu.memory_space<vmem>>, vector<16xf32>,
    %broadcast_in_dim3A_63 = arith.constant 0.000000e+00 : f32
    %broadcast_in_dim3A_64 = vector.broadcast %broadcast_in_dim3A_63 : f32 to vector<16xf32>
    %swap3A_65 = arith.constant 64 : index
    %swap3A_66 = tpu.vector_load %arg12[%swap3A_65] {strides = array<i32>} : memref<512xf32, #tpu.memory_space<vmem>>, vector<16xf32>,
    %swap3A_67 = vector.shape_cast %swap3A_66 : vector<16xf32> to vector<16xf32>
    %swap3A_68 = vector.shape_cast %broadcast_in_dim3A_64 : vector<16xf32> to vector<16xf32>
    tpu.vector_store %arg12[%swap3A_65], %swap3A_68 {strides = array<i32>} : memref<512xf32, #tpu.memory_space<vmem>>, vector<16xf32>,
    %broadcast_in_dim3A_69 = arith.constant 0.000000e+00 : f32
    %broadcast_in_dim3A_70 = vector.broadcast %broadcast_in_dim3A_69 : f32 to vector<16xf32>
    %swap3A_71 = arith.constant 80 : index
    %swap3A_72 = tpu.vector_load %arg12[%swap3A_71] {strides = array<i32>} : memref<512xf32, #tpu.memory_space<vmem>>, vector<16xf32>,
    %swap3A_73 = vector.shape_cast %swap3A_72 : vector<16xf32> to vector<16xf32>
    %swap3A_74 = vector.shape_cast %broadcast_in_dim3A_70 : vector<16xf32> to vector<16xf32>
    tpu.vector_store %arg12[%swap3A_71], %swap3A_74 {strides = array<i32>} : memref<512xf32, #tpu.memory_space<vmem>>, vector<16xf32>,
    %broadcast_in_dim3A_75 = arith.constant 0.000000e+00 : f32
    %broadcast_in_dim3A_76 = vector.broadcast %broadcast_in_dim3A_75 : f32 to vector<16xf32>
    %swap3A_77 = arith.constant 96 : index
    %swap3A_78 = tpu.vector_load %arg12[%swap3A_77] {strides = array<i32>} : memref<512xf32, #tpu.memory_space<vmem>>, vector<16xf32>,
    %swap3A_79 = vector.shape_cast %swap3A_78 : vector<16xf32> to vector<16xf32>
    %swap3A_80 = vector.shape_cast %broadcast_in_dim3A_76 : vector<16xf32> to vector<16xf32>
    tpu.vector_store %arg12[%swap3A_77], %swap3A_80 {strides = array<i32>} : memref<512xf32, #tpu.memory_space<vmem>>, vector<16xf32>,
    %broadcast_in_dim3A_81 = arith.constant 0.000000e+00 : f32
    %broadcast_in_dim3A_82 = vector.broadcast %broadcast_in_dim3A_81 : f32 to vector<16xf32>
    %swap3A_83 = arith.constant 112 : index
    %swap3A_84 = tpu.vector_load %arg12[%swap3A_83] {strides = array<i32>} : memref<512xf32, #tpu.memory_space<vmem>>, vector<16xf32>,
    %swap3A_85 = vector.shape_cast %swap3A_84 : vector<16xf32> to vector<16xf32>
    %swap3A_86 = vector.shape_cast %broadcast_in_dim3A_82 : vector<16xf32> to vector<16xf32>
    tpu.vector_store %arg12[%swap3A_83], %swap3A_86 {strides = array<i32>} : memref<512xf32, #tpu.memory_space<vmem>>, vector<16xf32>,
    %broadcast_in_dim3A_87 = arith.constant 0.000000e+00 : f32
    %broadcast_in_dim3A_88 = vector.broadcast %broadcast_in_dim3A_87 : f32 to vector<16xf32>
    %swap3A_89 = arith.constant 128 : index
    %swap3A_90 = tpu.vector_load %arg12[%swap3A_89] {strides = array<i32>} : memref<512xf32, #tpu.memory_space<vmem>>, vector<16xf32>,
    %swap3A_91 = vector.shape_cast %swap3A_90 : vector<16xf32> to vector<16xf32>
    %swap3A_92 = vector.shape_cast %broadcast_in_dim3A_88 : vector<16xf32> to vector<16xf32>
    tpu.vector_store %arg12[%swap3A_89], %swap3A_92 {strides = array<i32>} : memref<512xf32, #tpu.memory_space<vmem>>, vector<16xf32>,
    %broadcast_in_dim3A_93 = arith.constant 0.000000e+00 : f32
    %broadcast_in_dim3A_94 = vector.broadcast %broadcast_in_dim3A_93 : f32 to vector<16xf32>
    %swap3A_95 = arith.constant 144 : index
    %swap3A_96 = tpu.vector_load %arg12[%swap3A_95] {strides = array<i32>} : memref<512xf32, #tpu.memory_space<vmem>>, vector<16xf32>,
    %swap3A_97 = vector.shape_cast %swap3A_96 : vector<16xf32> to vector<16xf32>
    %swap3A_98 = vector.shape_cast %broadcast_in_dim3A_94 : vector<16xf32> to vector<16xf32>
    tpu.vector_store %arg12[%swap3A_95], %swap3A_98 {strides = array<i32>} : memref<512xf32, #tpu.memory_space<vmem>>, vector<16xf32>,
    %broadcast_in_dim3A_99 = arith.constant 0.000000e+00 : f32
    %broadcast_in_dim3A_100 = vector.broadcast %broadcast_in_dim3A_99 : f32 to vector<16xf32>
    %swap3A_101 = arith.constant 160 : index
    %swap3A_102 = tpu.vector_load %arg12[%swap3A_101] {strides = array<i32>} : memref<512xf32, #tpu.memory_space<vmem>>, vector<16xf32>,
    %swap3A_103 = vector.shape_cast %swap3A_102 : vector<16xf32> to vector<16xf32>
    %swap3A_104 = vector.shape_cast %broadcast_in_dim3A_100 : vector<16xf32> to vector<16xf32>
    tpu.vector_store %arg12[%swap3A_101], %swap3A_104 {strides = array<i32>} : memref<512xf32, #tpu.memory_space<vmem>>, vector<16xf32>,
    %broadcast_in_dim3A_105 = arith.constant 0.000000e+00 : f32
    %broadcast_in_dim3A_106 = vector.broadcast %broadcast_in_dim3A_105 : f32 to vector<16xf32>
    %swap3A_107 = arith.constant 176 : index
    %swap3A_108 = tpu.vector_load %arg12[%swap3A_107] {strides = array<i32>} : memref<512xf32, #tpu.memory_space<vmem>>, vector<16xf32>,
    %swap3A_109 = vector.shape_cast %swap3A_108 : vector<16xf32> to vector<16xf32>
    %swap3A_110 = vector.shape_cast %broadcast_in_dim3A_106 : vector<16xf32> to vector<16xf32>
    tpu.vector_store %arg12[%swap3A_107], %swap3A_110 {strides = array<i32>} : memref<512xf32, #tpu.memory_space<vmem>>, vector<16xf32>,
    %broadcast_in_dim3A_111 = arith.constant 0.000000e+00 : f32
    %broadcast_in_dim3A_112 = vector.broadcast %broadcast_in_dim3A_111 : f32 to vector<16xf32>
    %swap3A_113 = arith.constant 192 : index
    %swap3A_114 = tpu.vector_load %arg12[%swap3A_113] {strides = array<i32>} : memref<512xf32, #tpu.memory_space<vmem>>, vector<16xf32>,
    %swap3A_115 = vector.shape_cast %swap3A_114 : vector<16xf32> to vector<16xf32>
    %swap3A_116 = vector.shape_cast %broadcast_in_dim3A_112 : vector<16xf32> to vector<16xf32>
    tpu.vector_store %arg12[%swap3A_113], %swap3A_116 {strides = array<i32>} : memref<512xf32, #tpu.memory_space<vmem>>, vector<16xf32>,
    %broadcast_in_dim3A_117 = arith.constant 0.000000e+00 : f32
    %broadcast_in_dim3A_118 = vector.broadcast %broadcast_in_dim3A_117 : f32 to vector<16xf32>
    %swap3A_119 = arith.constant 208 : index
    %swap3A_120 = tpu.vector_load %arg12[%swap3A_119] {strides = array<i32>} : memref<512xf32, #tpu.memory_space<vmem>>, vector<16xf32>,
    %swap3A_121 = vector.shape_cast %swap3A_120 : vector<16xf32> to vector<16xf32>
    %swap3A_122 = vector.shape_cast %broadcast_in_dim3A_118 : vector<16xf32> to vector<16xf32>
    tpu.vector_store %arg12[%swap3A_119], %swap3A_122 {strides = array<i32>} : memref<512xf32, #tpu.memory_space<vmem>>, vector<16xf32>,
    %broadcast_in_dim3A_123 = arith.constant 0.000000e+00 : f32
    %broadcast_in_dim3A_124 = vector.broadcast %broadcast_in_dim3A_123 : f32 to vector<16xf32>
    %swap3A_125 = arith.constant 224 : index
    %swap3A_126 = tpu.vector_load %arg12[%swap3A_125] {strides = array<i32>} : memref<512xf32, #tpu.memory_space<vmem>>, vector<16xf32>,
    %swap3A_127 = vector.shape_cast %swap3A_126 : vector<16xf32> to vector<16xf32>
    %swap3A_128 = vector.shape_cast %broadcast_in_dim3A_124 : vector<16xf32> to vector<16xf32>
    tpu.vector_store %arg12[%swap3A_125], %swap3A_128 {strides = array<i32>} : memref<512xf32, #tpu.memory_space<vmem>>, vector<16xf32>,
    %broadcast_in_dim3A_129 = arith.constant 0.000000e+00 : f32
    %broadcast_in_dim3A_130 = vector.broadcast %broadcast_in_dim3A_129 : f32 to vector<16xf32>
    %swap3A_131 = arith.constant 240 : index
    %swap3A_132 = tpu.vector_load %arg12[%swap3A_131] {strides = array<i32>} : memref<512xf32, #tpu.memory_space<vmem>>, vector<16xf32>,
    %swap3A_133 = vector.shape_cast %swap3A_132 : vector<16xf32> to vector<16xf32>
    %swap3A_134 = vector.shape_cast %broadcast_in_dim3A_130 : vector<16xf32> to vector<16xf32>
    tpu.vector_store %arg12[%swap3A_131], %swap3A_134 {strides = array<i32>} : memref<512xf32, #tpu.memory_space<vmem>>, vector<16xf32>,
    %broadcast_in_dim3A_135 = arith.constant 0.000000e+00 : f32
    %broadcast_in_dim3A_136 = vector.broadcast %broadcast_in_dim3A_135 : f32 to vector<16xf32>
    %swap3A_137 = arith.constant 256 : index
    %swap3A_138 = tpu.vector_load %arg12[%swap3A_137] {strides = array<i32>} : memref<512xf32, #tpu.memory_space<vmem>>, vector<16xf32>,
    %swap3A_139 = vector.shape_cast %swap3A_138 : vector<16xf32> to vector<16xf32>
    %swap3A_140 = vector.shape_cast %broadcast_in_dim3A_136 : vector<16xf32> to vector<16xf32>
    tpu.vector_store %arg12[%swap3A_137], %swap3A_140 {strides = array<i32>} : memref<512xf32, #tpu.memory_space<vmem>>, vector<16xf32>,
    %broadcast_in_dim3A_141 = arith.constant 0.000000e+00 : f32
    %broadcast_in_dim3A_142 = vector.broadcast %broadcast_in_dim3A_141 : f32 to vector<16xf32>
    %swap3A_143 = arith.constant 272 : index
    %swap3A_144 = tpu.vector_load %arg12[%swap3A_143] {strides = array<i32>} : memref<512xf32, #tpu.memory_space<vmem>>, vector<16xf32>,
    %swap3A_145 = vector.shape_cast %swap3A_144 : vector<16xf32> to vector<16xf32>
    %swap3A_146 = vector.shape_cast %broadcast_in_dim3A_142 : vector<16xf32> to vector<16xf32>
    tpu.vector_store %arg12[%swap3A_143], %swap3A_146 {strides = array<i32>} : memref<512xf32, #tpu.memory_space<vmem>>, vector<16xf32>,
    %broadcast_in_dim3A_147 = arith.constant 0.000000e+00 : f32
    %broadcast_in_dim3A_148 = vector.broadcast %broadcast_in_dim3A_147 : f32 to vector<16xf32>
    %swap3A_149 = arith.constant 288 : index
    %swap3A_150 = tpu.vector_load %arg12[%swap3A_149] {strides = array<i32>} : memref<512xf32, #tpu.memory_space<vmem>>, vector<16xf32>,
    %swap3A_151 = vector.shape_cast %swap3A_150 : vector<16xf32> to vector<16xf32>
    %swap3A_152 = vector.shape_cast %broadcast_in_dim3A_148 : vector<16xf32> to vector<16xf32>
    tpu.vector_store %arg12[%swap3A_149], %swap3A_152 {strides = array<i32>} : memref<512xf32, #tpu.memory_space<vmem>>, vector<16xf32>,
    %broadcast_in_dim3A_153 = arith.constant 0.000000e+00 : f32
    %broadcast_in_dim3A_154 = vector.broadcast %broadcast_in_dim3A_153 : f32 to vector<16xf32>
    %swap3A_155 = arith.constant 304 : index
    %swap3A_156 = tpu.vector_load %arg12[%swap3A_155] {strides = array<i32>} : memref<512xf32, #tpu.memory_space<vmem>>, vector<16xf32>,
    %swap3A_157 = vector.shape_cast %swap3A_156 : vector<16xf32> to vector<16xf32>
    %swap3A_158 = vector.shape_cast %broadcast_in_dim3A_154 : vector<16xf32> to vector<16xf32>
    tpu.vector_store %arg12[%swap3A_155], %swap3A_158 {strides = array<i32>} : memref<512xf32, #tpu.memory_space<vmem>>, vector<16xf32>,
    %broadcast_in_dim3A_159 = arith.constant 0.000000e+00 : f32
    %broadcast_in_dim3A_160 = vector.broadcast %broadcast_in_dim3A_159 : f32 to vector<16xf32>
    %swap3A_161 = arith.constant 320 : index
    %swap3A_162 = tpu.vector_load %arg12[%swap3A_161] {strides = array<i32>} : memref<512xf32, #tpu.memory_space<vmem>>, vector<16xf32>,
    %swap3A_163 = vector.shape_cast %swap3A_162 : vector<16xf32> to vector<16xf32>
    %swap3A_164 = vector.shape_cast %broadcast_in_dim3A_160 : vector<16xf32> to vector<16xf32>
    tpu.vector_store %arg12[%swap3A_161], %swap3A_164 {strides = array<i32>} : memref<512xf32, #tpu.memory_space<vmem>>, vector<16xf32>,
    %broadcast_in_dim3A_165 = arith.constant 0.000000e+00 : f32
    %broadcast_in_dim3A_166 = vector.broadcast %broadcast_in_dim3A_165 : f32 to vector<16xf32>
    %swap3A_167 = arith.constant 336 : index
    %swap3A_168 = tpu.vector_load %arg12[%swap3A_167] {strides = array<i32>} : memref<512xf32, #tpu.memory_space<vmem>>, vector<16xf32>,
    %swap3A_169 = vector.shape_cast %swap3A_168 : vector<16xf32> to vector<16xf32>
    %swap3A_170 = vector.shape_cast %broadcast_in_dim3A_166 : vector<16xf32> to vector<16xf32>
    tpu.vector_store %arg12[%swap3A_167], %swap3A_170 {strides = array<i32>} : memref<512xf32, #tpu.memory_space<vmem>>, vector<16xf32>,
    %broadcast_in_dim3A_171 = arith.constant 0.000000e+00 : f32
    %broadcast_in_dim3A_172 = vector.broadcast %broadcast_in_dim3A_171 : f32 to vector<16xf32>
    %swap3A_173 = arith.constant 352 : index
    %swap3A_174 = tpu.vector_load %arg12[%swap3A_173] {strides = array<i32>} : memref<512xf32, #tpu.memory_space<vmem>>, vector<16xf32>,
    %swap3A_175 = vector.shape_cast %swap3A_174 : vector<16xf32> to vector<16xf32>
    %swap3A_176 = vector.shape_cast %broadcast_in_dim3A_172 : vector<16xf32> to vector<16xf32>
    tpu.vector_store %arg12[%swap3A_173], %swap3A_176 {strides = array<i32>} : memref<512xf32, #tpu.memory_space<vmem>>, vector<16xf32>,
    %broadcast_in_dim3A_177 = arith.constant 0.000000e+00 : f32
    %broadcast_in_dim3A_178 = vector.broadcast %broadcast_in_dim3A_177 : f32 to vector<16xf32>
    %swap3A_179 = arith.constant 368 : index
    %swap3A_180 = tpu.vector_load %arg12[%swap3A_179] {strides = array<i32>} : memref<512xf32, #tpu.memory_space<vmem>>, vector<16xf32>,
    %swap3A_181 = vector.shape_cast %swap3A_180 : vector<16xf32> to vector<16xf32>
    %swap3A_182 = vector.shape_cast %broadcast_in_dim3A_178 : vector<16xf32> to vector<16xf32>
    tpu.vector_store %arg12[%swap3A_179], %swap3A_182 {strides = array<i32>} : memref<512xf32, #tpu.memory_space<vmem>>, vector<16xf32>,
    %broadcast_in_dim3A_183 = arith.constant 0.000000e+00 : f32
    %broadcast_in_dim3A_184 = vector.broadcast %broadcast_in_dim3A_183 : f32 to vector<16xf32>
    %swap3A_185 = arith.constant 384 : index
    %swap3A_186 = tpu.vector_load %arg12[%swap3A_185] {strides = array<i32>} : memref<512xf32, #tpu.memory_space<vmem>>, vector<16xf32>,
    %swap3A_187 = vector.shape_cast %swap3A_186 : vector<16xf32> to vector<16xf32>
    %swap3A_188 = vector.shape_cast %broadcast_in_dim3A_184 : vector<16xf32> to vector<16xf32>
    tpu.vector_store %arg12[%swap3A_185], %swap3A_188 {strides = array<i32>} : memref<512xf32, #tpu.memory_space<vmem>>, vector<16xf32>,
    %broadcast_in_dim3A_189 = arith.constant 0.000000e+00 : f32
    %broadcast_in_dim3A_190 = vector.broadcast %broadcast_in_dim3A_189 : f32 to vector<16xf32>
    %swap3A_191 = arith.constant 400 : index
    %swap3A_192 = tpu.vector_load %arg12[%swap3A_191] {strides = array<i32>} : memref<512xf32, #tpu.memory_space<vmem>>, vector<16xf32>,
    %swap3A_193 = vector.shape_cast %swap3A_192 : vector<16xf32> to vector<16xf32>
    %swap3A_194 = vector.shape_cast %broadcast_in_dim3A_190 : vector<16xf32> to vector<16xf32>
    tpu.vector_store %arg12[%swap3A_191], %swap3A_194 {strides = array<i32>} : memref<512xf32, #tpu.memory_space<vmem>>, vector<16xf32>,
    %broadcast_in_dim3A_195 = arith.constant 0.000000e+00 : f32
    %broadcast_in_dim3A_196 = vector.broadcast %broadcast_in_dim3A_195 : f32 to vector<16xf32>
    %swap3A_197 = arith.constant 416 : index
    %swap3A_198 = tpu.vector_load %arg12[%swap3A_197] {strides = array<i32>} : memref<512xf32, #tpu.memory_space<vmem>>, vector<16xf32>,
    %swap3A_199 = vector.shape_cast %swap3A_198 : vector<16xf32> to vector<16xf32>
    %swap3A_200 = vector.shape_cast %broadcast_in_dim3A_196 : vector<16xf32> to vector<16xf32>
    tpu.vector_store %arg12[%swap3A_197], %swap3A_200 {strides = array<i32>} : memref<512xf32, #tpu.memory_space<vmem>>, vector<16xf32>,
    %broadcast_in_dim3A_201 = arith.constant 0.000000e+00 : f32
    %broadcast_in_dim3A_202 = vector.broadcast %broadcast_in_dim3A_201 : f32 to vector<16xf32>
    %swap3A_203 = arith.constant 432 : index
    %swap3A_204 = tpu.vector_load %arg12[%swap3A_203] {strides = array<i32>} : memref<512xf32, #tpu.memory_space<vmem>>, vector<16xf32>,
    %swap3A_205 = vector.shape_cast %swap3A_204 : vector<16xf32> to vector<16xf32>
    %swap3A_206 = vector.shape_cast %broadcast_in_dim3A_202 : vector<16xf32> to vector<16xf32>
    tpu.vector_store %arg12[%swap3A_203], %swap3A_206 {strides = array<i32>} : memref<512xf32, #tpu.memory_space<vmem>>, vector<16xf32>,
    %broadcast_in_dim3A_207 = arith.constant 0.000000e+00 : f32
    %broadcast_in_dim3A_208 = vector.broadcast %broadcast_in_dim3A_207 : f32 to vector<16xf32>
    %swap3A_209 = arith.constant 448 : index
    %swap3A_210 = tpu.vector_load %arg12[%swap3A_209] {strides = array<i32>} : memref<512xf32, #tpu.memory_space<vmem>>, vector<16xf32>,
    %swap3A_211 = vector.shape_cast %swap3A_210 : vector<16xf32> to vector<16xf32>
    %swap3A_212 = vector.shape_cast %broadcast_in_dim3A_208 : vector<16xf32> to vector<16xf32>
    tpu.vector_store %arg12[%swap3A_209], %swap3A_212 {strides = array<i32>} : memref<512xf32, #tpu.memory_space<vmem>>, vector<16xf32>,
    %broadcast_in_dim3A_213 = arith.constant 0.000000e+00 : f32
    %broadcast_in_dim3A_214 = vector.broadcast %broadcast_in_dim3A_213 : f32 to vector<16xf32>
    %swap3A_215 = arith.constant 464 : index
    %swap3A_216 = tpu.vector_load %arg12[%swap3A_215] {strides = array<i32>} : memref<512xf32, #tpu.memory_space<vmem>>, vector<16xf32>,
    %swap3A_217 = vector.shape_cast %swap3A_216 : vector<16xf32> to vector<16xf32>
    %swap3A_218 = vector.shape_cast %broadcast_in_dim3A_214 : vector<16xf32> to vector<16xf32>
    tpu.vector_store %arg12[%swap3A_215], %swap3A_218 {strides = array<i32>} : memref<512xf32, #tpu.memory_space<vmem>>, vector<16xf32>,
    %broadcast_in_dim3A_219 = arith.constant 0.000000e+00 : f32
    %broadcast_in_dim3A_220 = vector.broadcast %broadcast_in_dim3A_219 : f32 to vector<16xf32>
    %swap3A_221 = arith.constant 480 : index
    %swap3A_222 = tpu.vector_load %arg12[%swap3A_221] {strides = array<i32>} : memref<512xf32, #tpu.memory_space<vmem>>, vector<16xf32>,
    %swap3A_223 = vector.shape_cast %swap3A_222 : vector<16xf32> to vector<16xf32>
    %swap3A_224 = vector.shape_cast %broadcast_in_dim3A_220 : vector<16xf32> to vector<16xf32>
    tpu.vector_store %arg12[%swap3A_221], %swap3A_224 {strides = array<i32>} : memref<512xf32, #tpu.memory_space<vmem>>, vector<16xf32>,
    %broadcast_in_dim3A_225 = arith.constant 0.000000e+00 : f32
    %broadcast_in_dim3A_226 = vector.broadcast %broadcast_in_dim3A_225 : f32 to vector<16xf32>
    %swap3A_227 = arith.constant 496 : index
    %swap3A_228 = tpu.vector_load %arg12[%swap3A_227] {strides = array<i32>} : memref<512xf32, #tpu.memory_space<vmem>>, vector<16xf32>,
    %swap3A_229 = vector.shape_cast %swap3A_228 : vector<16xf32> to vector<16xf32>
    %swap3A_230 = vector.shape_cast %broadcast_in_dim3A_226 : vector<16xf32> to vector<16xf32>
    tpu.vector_store %arg12[%swap3A_227], %swap3A_230 {strides = array<i32>} : memref<512xf32, #tpu.memory_space<vmem>>, vector<16xf32>,
    %broadcast_in_dim3A_231 = arith.constant 1.000000e+00 : f32
    %broadcast_in_dim3A_232 = vector.broadcast %broadcast_in_dim3A_231 : f32 to vector<16xf32>
    %swap3A_233 = arith.constant 0 : index
    %swap3A_234 = tpu.vector_load %arg13[%swap3A_233] {strides = array<i32>} : memref<128xf32, #tpu.memory_space<vmem>>, vector<16xf32>,
    %swap3A_235 = vector.shape_cast %swap3A_234 : vector<16xf32> to vector<16xf32>
    %swap3A_236 = vector.shape_cast %broadcast_in_dim3A_232 : vector<16xf32> to vector<16xf32>
    tpu.vector_store %arg13[%swap3A_233], %swap3A_236 {strides = array<i32>} : memref<128xf32, #tpu.memory_space<vmem>>, vector<16xf32>,
    %broadcast_in_dim3A_237 = arith.constant 1.000000e+00 : f32
    %broadcast_in_dim3A_238 = vector.broadcast %broadcast_in_dim3A_237 : f32 to vector<16xf32>
    %swap3A_239 = arith.constant 16 : index
    %swap3A_240 = tpu.vector_load %arg13[%swap3A_239] {strides = array<i32>} : memref<128xf32, #tpu.memory_space<vmem>>, vector<16xf32>,
    %swap3A_241 = vector.shape_cast %swap3A_240 : vector<16xf32> to vector<16xf32>
    %swap3A_242 = vector.shape_cast %broadcast_in_dim3A_238 : vector<16xf32> to vector<16xf32>
    tpu.vector_store %arg13[%swap3A_239], %swap3A_242 {strides = array<i32>} : memref<128xf32, #tpu.memory_space<vmem>>, vector<16xf32>,
    %broadcast_in_dim3A_243 = arith.constant 1.000000e+00 : f32
    %broadcast_in_dim3A_244 = vector.broadcast %broadcast_in_dim3A_243 : f32 to vector<16xf32>
    %swap3A_245 = arith.constant 32 : index
    %swap3A_246 = tpu.vector_load %arg13[%swap3A_245] {strides = array<i32>} : memref<128xf32, #tpu.memory_space<vmem>>, vector<16xf32>,
    %swap3A_247 = vector.shape_cast %swap3A_246 : vector<16xf32> to vector<16xf32>
    %swap3A_248 = vector.shape_cast %broadcast_in_dim3A_244 : vector<16xf32> to vector<16xf32>
    tpu.vector_store %arg13[%swap3A_245], %swap3A_248 {strides = array<i32>} : memref<128xf32, #tpu.memory_space<vmem>>, vector<16xf32>,
    %broadcast_in_dim3A_249 = arith.constant 1.000000e+00 : f32
    %broadcast_in_dim3A_250 = vector.broadcast %broadcast_in_dim3A_249 : f32 to vector<16xf32>
    %swap3A_251 = arith.constant 48 : index
    %swap3A_252 = tpu.vector_load %arg13[%swap3A_251] {strides = array<i32>} : memref<128xf32, #tpu.memory_space<vmem>>, vector<16xf32>,
    %swap3A_253 = vector.shape_cast %swap3A_252 : vector<16xf32> to vector<16xf32>
    %swap3A_254 = vector.shape_cast %broadcast_in_dim3A_250 : vector<16xf32> to vector<16xf32>
    tpu.vector_store %arg13[%swap3A_251], %swap3A_254 {strides = array<i32>} : memref<128xf32, #tpu.memory_space<vmem>>, vector<16xf32>,
    %broadcast_in_dim3A_255 = arith.constant 1.000000e+00 : f32
    %broadcast_in_dim3A_256 = vector.broadcast %broadcast_in_dim3A_255 : f32 to vector<16xf32>
    %swap3A_257 = arith.constant 64 : index
    %swap3A_258 = tpu.vector_load %arg13[%swap3A_257] {strides = array<i32>} : memref<128xf32, #tpu.memory_space<vmem>>, vector<16xf32>,
    %swap3A_259 = vector.shape_cast %swap3A_258 : vector<16xf32> to vector<16xf32>
    %swap3A_260 = vector.shape_cast %broadcast_in_dim3A_256 : vector<16xf32> to vector<16xf32>
    tpu.vector_store %arg13[%swap3A_257], %swap3A_260 {strides = array<i32>} : memref<128xf32, #tpu.memory_space<vmem>>, vector<16xf32>,
    %broadcast_in_dim3A_261 = arith.constant 1.000000e+00 : f32
    %broadcast_in_dim3A_262 = vector.broadcast %broadcast_in_dim3A_261 : f32 to vector<16xf32>
    %swap3A_263 = arith.constant 80 : index
    %swap3A_264 = tpu.vector_load %arg13[%swap3A_263] {strides = array<i32>} : memref<128xf32, #tpu.memory_space<vmem>>, vector<16xf32>,
    %swap3A_265 = vector.shape_cast %swap3A_264 : vector<16xf32> to vector<16xf32>
    %swap3A_266 = vector.shape_cast %broadcast_in_dim3A_262 : vector<16xf32> to vector<16xf32>
    tpu.vector_store %arg13[%swap3A_263], %swap3A_266 {strides = array<i32>} : memref<128xf32, #tpu.memory_space<vmem>>, vector<16xf32>,
    %broadcast_in_dim3A_267 = arith.constant 1.000000e+00 : f32
    %broadcast_in_dim3A_268 = vector.broadcast %broadcast_in_dim3A_267 : f32 to vector<16xf32>
    %swap3A_269 = arith.constant 96 : index
    %swap3A_270 = tpu.vector_load %arg13[%swap3A_269] {strides = array<i32>} : memref<128xf32, #tpu.memory_space<vmem>>, vector<16xf32>,
    %swap3A_271 = vector.shape_cast %swap3A_270 : vector<16xf32> to vector<16xf32>
    %swap3A_272 = vector.shape_cast %broadcast_in_dim3A_268 : vector<16xf32> to vector<16xf32>
    tpu.vector_store %arg13[%swap3A_269], %swap3A_272 {strides = array<i32>} : memref<128xf32, #tpu.memory_space<vmem>>, vector<16xf32>,
    %broadcast_in_dim3A_273 = arith.constant 1.000000e+00 : f32
    %broadcast_in_dim3A_274 = vector.broadcast %broadcast_in_dim3A_273 : f32 to vector<16xf32>
    %swap3A_275 = arith.constant 112 : index
    %swap3A_276 = tpu.vector_load %arg13[%swap3A_275] {strides = array<i32>} : memref<128xf32, #tpu.memory_space<vmem>>, vector<16xf32>,
    %swap3A_277 = vector.shape_cast %swap3A_276 : vector<16xf32> to vector<16xf32>
    %swap3A_278 = vector.shape_cast %broadcast_in_dim3A_274 : vector<16xf32> to vector<16xf32>
    tpu.vector_store %arg13[%swap3A_275], %swap3A_278 {strides = array<i32>} : memref<128xf32, #tpu.memory_space<vmem>>, vector<16xf32>,
    %mul3A_279 = arith.constant 512 : i32
    %mul3A_280 = arith.muli %arg1, %mul3A_279 : i32
    "tpu.region"() ({
      %run_scoped3A_346 = tpu.sem_alloc : memref<!tpu.dma_semaphore, #tpu.memory_space<semaphore_mem>>
      %dma_start3A_347 = arith.constant 0 : i32
      %dma_start3A_348 = tpu.memref_slice %arg12[%dma_start3A_347] : memref<512xf32, #tpu.memory_space<vmem>> -> memref<512xf32, #tpu.memory_space<vmem>>
      %dma_start3A_349 = tpu.memref_slice %arg15[%mul3A_280] : memref<8192xf32, #tpu.memory_space<vmem_shared>> -> memref<512xf32, #tpu.memory_space<vmem_shared>>
      %dma_start3A_350 = tpu.memref_slice %arg15[%mul3A_280] : memref<8192xf32, #tpu.memory_space<vmem_shared>> -> memref<512xf32, #tpu.memory_space<vmem_shared>>
      %dma_start3A_351 = arith.constant 0 : i32
      %dma_start3A_352 = tpu.memref_slice %arg12[%dma_start3A_351] : memref<512xf32, #tpu.memory_space<vmem>> -> memref<512xf32, #tpu.memory_space<vmem>>
      tpu.enqueue_dma source(%dma_start3A_352 : memref<512xf32, #tpu.memory_space<vmem>>) target(%dma_start3A_350 : memref<512xf32, #tpu.memory_space<vmem_shared>>) target_semaphore(%run_scoped3A_346 : memref<!tpu.dma_semaphore, #tpu.memory_space<semaphore_mem>>)
      %dma_wait3A_353 = arith.constant 0 : i32
      %dma_wait3A_354 = tpu.memref_slice %arg12[%dma_wait3A_353] : memref<512xf32, #tpu.memory_space<vmem>> -> memref<512xf32, #tpu.memory_space<vmem>>
      %dma_wait3A_355 = tpu.memref_slice %arg15[%mul3A_280] : memref<8192xf32, #tpu.memory_space<vmem_shared>> -> memref<512xf32, #tpu.memory_space<vmem_shared>>
      %dma_wait3A_356 = tpu.memref_slice %arg15[%mul3A_280] : memref<8192xf32, #tpu.memory_space<vmem_shared>> -> memref<512xf32, #tpu.memory_space<vmem_shared>>
      %dma_wait3A_357 = arith.constant 0 : i32
      %dma_wait3A_358 = tpu.memref_slice %arg12[%dma_wait3A_357] : memref<512xf32, #tpu.memory_space<vmem>> -> memref<512xf32, #tpu.memory_space<vmem>>
      tpu.wait_dma2 semaphore(%run_scoped3A_346 : memref<!tpu.dma_semaphore, #tpu.memory_space<semaphore_mem>>) src(%dma_wait3A_358 : memref<512xf32, #tpu.memory_space<vmem>>) dst(%dma_wait3A_356 : memref<512xf32, #tpu.memory_space<vmem_shared>>)
      tpu.yield
    }) : () -> ()
    %barrier3A = arith.constant 0 : index
    tpu.barrier barrier_id(%barrier3A)
    %run_scoped3A = arith.constant 0 : i32
    "tpu.region"() ({
      %run_scoped3A_346 = tpu.sem_alloc : memref<!tpu.dma_semaphore, #tpu.memory_space<semaphore_mem>>
      %dma_start3A_347 = arith.constant 0 : i32
      %dma_start3A_348 = tpu.memref_slice %arg8[%run_scoped3A, %dma_start3A_347] : memref<2x128xi32, #tpu.memory_space<vmem>> -> memref<1x128xi32, #tpu.memory_space<vmem>>
      %dma_start3A_349 = tpu.memref_squeeze %dma_start3A_348 : memref<1x128xi32, #tpu.memory_space<vmem>> -> memref<128xi32, #tpu.memory_space<vmem>>
      %dma_start3A_350 = arith.constant 0 : i32
      %dma_start3A_351 = tpu.memref_slice %arg15[%dma_start3A_350] : memref<8192xf32, #tpu.memory_space<vmem_shared>> -> memref<8192xf32, #tpu.memory_space<vmem_shared>>
      tpu.enqueue_indirect_dma source(%arg13 : memref<128xf32, #tpu.memory_space<vmem>>) target(%dma_start3A_351 : memref<8192xf32, #tpu.memory_space<vmem_shared>>) offsets(%dma_start3A_349 : memref<128xi32, #tpu.memory_space<vmem>>) semaphore(%run_scoped3A_346 : memref<!tpu.dma_semaphore, #tpu.memory_space<semaphore_mem>>) {add = true}
      %dma_wait3A_352 = arith.constant 0 : i32
      %dma_wait3A_353 = tpu.memref_slice %arg8[%run_scoped3A, %dma_wait3A_352] : memref<2x128xi32, #tpu.memory_space<vmem>> -> memref<1x128xi32, #tpu.memory_space<vmem>>
      %dma_wait3A_354 = tpu.memref_squeeze %dma_wait3A_353 : memref<1x128xi32, #tpu.memory_space<vmem>> -> memref<128xi32, #tpu.memory_space<vmem>>
      %dma_wait3A_355 = arith.constant 0 : i32
      %dma_wait3A_356 = tpu.memref_slice %arg15[%dma_wait3A_355] : memref<8192xf32, #tpu.memory_space<vmem_shared>> -> memref<8192xf32, #tpu.memory_space<vmem_shared>>
      tpu.wait_indirect_dma semaphore(%run_scoped3A_346 : memref<!tpu.dma_semaphore, #tpu.memory_space<semaphore_mem>>) src(%arg13 : memref<128xf32, #tpu.memory_space<vmem>>) dst(%dma_wait3A_356 : memref<8192xf32, #tpu.memory_space<vmem_shared>>)
      tpu.yield
    }) : () -> ()
    %run_scoped3A_281 = arith.constant 1 : i32
    "tpu.region"() ({
      %run_scoped3A_346 = tpu.sem_alloc : memref<!tpu.dma_semaphore, #tpu.memory_space<semaphore_mem>>
      %dma_start3A_347 = arith.constant 0 : i32
      %dma_start3A_348 = tpu.memref_slice %arg8[%run_scoped3A_281, %dma_start3A_347] : memref<2x128xi32, #tpu.memory_space<vmem>> -> memref<1x128xi32, #tpu.memory_space<vmem>>
      %dma_start3A_349 = tpu.memref_squeeze %dma_start3A_348 : memref<1x128xi32, #tpu.memory_space<vmem>> -> memref<128xi32, #tpu.memory_space<vmem>>
      %dma_start3A_350 = arith.constant 0 : i32
      %dma_start3A_351 = tpu.memref_slice %arg15[%dma_start3A_350] : memref<8192xf32, #tpu.memory_space<vmem_shared>> -> memref<8192xf32, #tpu.memory_space<vmem_shared>>
      tpu.enqueue_indirect_dma source(%arg13 : memref<128xf32, #tpu.memory_space<vmem>>) target(%dma_start3A_351 : memref<8192xf32, #tpu.memory_space<vmem_shared>>) offsets(%dma_start3A_349 : memref<128xi32, #tpu.memory_space<vmem>>) semaphore(%run_scoped3A_346 : memref<!tpu.dma_semaphore, #tpu.memory_space<semaphore_mem>>) {add = true}
      %dma_wait3A_352 = arith.constant 0 : i32
      %dma_wait3A_353 = tpu.memref_slice %arg8[%run_scoped3A_281, %dma_wait3A_352] : memref<2x128xi32, #tpu.memory_space<vmem>> -> memref<1x128xi32, #tpu.memory_space<vmem>>
      %dma_wait3A_354 = tpu.memref_squeeze %dma_wait3A_353 : memref<1x128xi32, #tpu.memory_space<vmem>> -> memref<128xi32, #tpu.memory_space<vmem>>
      %dma_wait3A_355 = arith.constant 0 : i32
      %dma_wait3A_356 = tpu.memref_slice %arg15[%dma_wait3A_355] : memref<8192xf32, #tpu.memory_space<vmem_shared>> -> memref<8192xf32, #tpu.memory_space<vmem_shared>>
      tpu.wait_indirect_dma semaphore(%run_scoped3A_346 : memref<!tpu.dma_semaphore, #tpu.memory_space<semaphore_mem>>) src(%arg13 : memref<128xf32, #tpu.memory_space<vmem>>) dst(%dma_wait3A_356 : memref<8192xf32, #tpu.memory_space<vmem_shared>>)
      tpu.yield
    }) : () -> ()
    %broadcast_in_dim3A_282 = arith.constant 0.000000e+00 : f32
    %broadcast_in_dim3A_283 = vector.broadcast %broadcast_in_dim3A_282 : f32 to vector<16xf32>
    %scan3A = arith.constant 0 : i32
    %scan3A_284 = arith.constant 256 : i32
    %scan3A_285 = arith.addi %scan3A, %scan3A_284 : i32
    %scan3A_286 = arith.constant 1 : i32
    %scan3A_287 = scf.for %scan3A_346 = %scan3A to %scan3A_285 step %scan3A_286 iter_args(%scan3A_347 = %broadcast_in_dim3A_283) -> (vector<16xf32>)  : i32 {
      %get3A = arith.index_cast %scan3A_346 : i32 to index
      %get3A_348 = arith.constant 0 : index
      %get3A_349 = tpu.vector_load %arg9[%get3A, %get3A_348] {strides = array<i32>} : memref<256x128xf32, #tpu.memory_space<vmem>>, vector<1x16xf32>,
      %get3A_350 = vector.shape_cast %get3A_349 : vector<1x16xf32> to vector<16xf32>
      %get3A_351 = arith.index_cast %scan3A_346 : i32 to index
      %get3A_352 = arith.constant 0 : index
      %get3A_353 = tpu.vector_load %arg10[%get3A_351, %get3A_352] {strides = array<i32>} : memref<256x32xf32, #tpu.memory_space<vmem>>, vector<1x16xf32>,
      %get3A_354 = vector.shape_cast %get3A_353 : vector<1x16xf32> to vector<16xf32>
      %bitcast_convert_type3A = tpu.bitcast %get3A_350 : vector<16xf32> -> vector<16xi32>
      %add3A_355 = arith.constant 32767 : i32
      %add3A_356 = vector.broadcast %add3A_355 : i32 to vector<16xi32>
      %add3A_357 = arith.addi %bitcast_convert_type3A, %add3A_356 : vector<16xi32>
      %shift_right_logical3A = arith.constant 16 : i32
      %shift_right_logical3A_358 = vector.broadcast %shift_right_logical3A : i32 to vector<16xi32>
      %shift_right_logical3A_359 = arith.shrui %bitcast_convert_type3A, %shift_right_logical3A_358 : vector<16xi32>
      %and3A = arith.constant 1 : i32
      %and3A_360 = vector.broadcast %and3A : i32 to vector<16xi32>
      %and3A_361 = arith.andi %shift_right_logical3A_359, %and3A_360 : vector<16xi32>
      %add3A_362 = arith.addi %add3A_357, %and3A_361 : vector<16xi32>
      %and3A_363 = arith.constant -65536 : i32
      %and3A_364 = vector.broadcast %and3A_363 : i32 to vector<16xi32>
      %and3A_365 = arith.andi %add3A_362, %and3A_364 : vector<16xi32>
      %bitcast_convert_type3A_366 = tpu.bitcast %and3A_365 : vector<16xi32> -> vector<16xf32>
      %sub3A = arith.subf %bitcast_convert_type3A_366, %get3A_354 : vector<16xf32>
      %add3A_367 = arith.addf %get3A_354, %sub3A : vector<16xf32>
      %swap3A_368 = arith.index_cast %scan3A_346 : i32 to index
      %swap3A_369 = arith.constant 0 : index
      %swap3A_370 = tpu.vector_load %arg11[%swap3A_368, %swap3A_369] {strides = array<i32>} : memref<256x32xf32, #tpu.memory_space<vmem>>, vector<1x16xf32>,
      %swap3A_371 = vector.shape_cast %swap3A_370 : vector<1x16xf32> to vector<16xf32>
      %swap3A_372 = vector.shape_cast %add3A_367 : vector<16xf32> to vector<1x16xf32>
      tpu.vector_store %arg11[%swap3A_368, %swap3A_369], %swap3A_372 {strides = array<i32>} : memref<256x32xf32, #tpu.memory_space<vmem>>, vector<1x16xf32>,
      %mul3A_373 = arith.mulf %sub3A, %sub3A : vector<16xf32>
      %add3A_374 = arith.addf %scan3A_347, %mul3A_373 : vector<16xf32>
      %get3A_375 = arith.index_cast %scan3A_346 : i32 to index
      %get3A_376 = arith.constant 16 : index
      %get3A_377 = tpu.vector_load %arg9[%get3A_375, %get3A_376] {strides = array<i32>} : memref<256x128xf32, #tpu.memory_space<vmem>>, vector<1x16xf32>,
      %get3A_378 = vector.shape_cast %get3A_377 : vector<1x16xf32> to vector<16xf32>
      %get3A_379 = arith.index_cast %scan3A_346 : i32 to index
      %get3A_380 = arith.constant 16 : index
      %get3A_381 = tpu.vector_load %arg10[%get3A_379, %get3A_380] {strides = array<i32>} : memref<256x32xf32, #tpu.memory_space<vmem>>, vector<1x16xf32>,
      %get3A_382 = vector.shape_cast %get3A_381 : vector<1x16xf32> to vector<16xf32>
      %bitcast_convert_type3A_383 = tpu.bitcast %get3A_378 : vector<16xf32> -> vector<16xi32>
      %add3A_384 = arith.constant 32767 : i32
      %add3A_385 = vector.broadcast %add3A_384 : i32 to vector<16xi32>
      %add3A_386 = arith.addi %bitcast_convert_type3A_383, %add3A_385 : vector<16xi32>
      %shift_right_logical3A_387 = arith.constant 16 : i32
      %shift_right_logical3A_388 = vector.broadcast %shift_right_logical3A_387 : i32 to vector<16xi32>
      %shift_right_logical3A_389 = arith.shrui %bitcast_convert_type3A_383, %shift_right_logical3A_388 : vector<16xi32>
      %and3A_390 = arith.constant 1 : i32
      %and3A_391 = vector.broadcast %and3A_390 : i32 to vector<16xi32>
      %and3A_392 = arith.andi %shift_right_logical3A_389, %and3A_391 : vector<16xi32>
      %add3A_393 = arith.addi %add3A_386, %and3A_392 : vector<16xi32>
      %and3A_394 = arith.constant -65536 : i32
      %and3A_395 = vector.broadcast %and3A_394 : i32 to vector<16xi32>
      %and3A_396 = arith.andi %add3A_393, %and3A_395 : vector<16xi32>
      %bitcast_convert_type3A_397 = tpu.bitcast %and3A_396 : vector<16xi32> -> vector<16xf32>
      %sub3A_398 = arith.subf %bitcast_convert_type3A_397, %get3A_382 : vector<16xf32>
      %add3A_399 = arith.addf %get3A_382, %sub3A_398 : vector<16xf32>
      %swap3A_400 = arith.index_cast %scan3A_346 : i32 to index
      %swap3A_401 = arith.constant 16 : index
      %swap3A_402 = tpu.vector_load %arg11[%swap3A_400, %swap3A_401] {strides = array<i32>} : memref<256x32xf32, #tpu.memory_space<vmem>>, vector<1x16xf32>,
      %swap3A_403 = vector.shape_cast %swap3A_402 : vector<1x16xf32> to vector<16xf32>
      %swap3A_404 = vector.shape_cast %add3A_399 : vector<16xf32> to vector<1x16xf32>
      tpu.vector_store %arg11[%swap3A_400, %swap3A_401], %swap3A_404 {strides = array<i32>} : memref<256x32xf32, #tpu.memory_space<vmem>>, vector<1x16xf32>,
      %mul3A_405 = arith.mulf %sub3A_398, %sub3A_398 : vector<16xf32>
      %add3A_406 = arith.addf %add3A_374, %mul3A_405 : vector<16xf32>
      scf.yield %add3A_406 : vector<16xf32>
    }
    %scan3A_288 = arith.constant 256 : i32
    %broadcast_in_dim3A_289 = arith.constant 0.000000e+00 : f32
    %broadcast_in_dim3A_290 = vector.broadcast %broadcast_in_dim3A_289 : f32 to vector<16xf32>
    %swap3A_291 = arith.constant 0 : index
    %swap3A_292 = tpu.vector_load %arg14[%swap3A_291] {strides = array<i32>} : memref<128xf32, #tpu.memory_space<vmem>>, vector<16xf32>,
    %swap3A_293 = vector.shape_cast %swap3A_292 : vector<16xf32> to vector<16xf32>
    %swap3A_294 = vector.shape_cast %broadcast_in_dim3A_290 : vector<16xf32> to vector<16xf32>
    tpu.vector_store %arg14[%swap3A_291], %swap3A_294 {strides = array<i32>} : memref<128xf32, #tpu.memory_space<vmem>>, vector<16xf32>,
    %broadcast_in_dim3A_295 = arith.constant 0.000000e+00 : f32
    %broadcast_in_dim3A_296 = vector.broadcast %broadcast_in_dim3A_295 : f32 to vector<16xf32>
    %swap3A_297 = arith.constant 16 : index
    %swap3A_298 = tpu.vector_load %arg14[%swap3A_297] {strides = array<i32>} : memref<128xf32, #tpu.memory_space<vmem>>, vector<16xf32>,
    %swap3A_299 = vector.shape_cast %swap3A_298 : vector<16xf32> to vector<16xf32>
    %swap3A_300 = vector.shape_cast %broadcast_in_dim3A_296 : vector<16xf32> to vector<16xf32>
    tpu.vector_store %arg14[%swap3A_297], %swap3A_300 {strides = array<i32>} : memref<128xf32, #tpu.memory_space<vmem>>, vector<16xf32>,
    %broadcast_in_dim3A_301 = arith.constant 0.000000e+00 : f32
    %broadcast_in_dim3A_302 = vector.broadcast %broadcast_in_dim3A_301 : f32 to vector<16xf32>
    %swap3A_303 = arith.constant 32 : index
    %swap3A_304 = tpu.vector_load %arg14[%swap3A_303] {strides = array<i32>} : memref<128xf32, #tpu.memory_space<vmem>>, vector<16xf32>,
    %swap3A_305 = vector.shape_cast %swap3A_304 : vector<16xf32> to vector<16xf32>
    %swap3A_306 = vector.shape_cast %broadcast_in_dim3A_302 : vector<16xf32> to vector<16xf32>
    tpu.vector_store %arg14[%swap3A_303], %swap3A_306 {strides = array<i32>} : memref<128xf32, #tpu.memory_space<vmem>>, vector<16xf32>,
    %broadcast_in_dim3A_307 = arith.constant 0.000000e+00 : f32
    %broadcast_in_dim3A_308 = vector.broadcast %broadcast_in_dim3A_307 : f32 to vector<16xf32>
    %swap3A_309 = arith.constant 48 : index
    %swap3A_310 = tpu.vector_load %arg14[%swap3A_309] {strides = array<i32>} : memref<128xf32, #tpu.memory_space<vmem>>, vector<16xf32>,
    %swap3A_311 = vector.shape_cast %swap3A_310 : vector<16xf32> to vector<16xf32>
    %swap3A_312 = vector.shape_cast %broadcast_in_dim3A_308 : vector<16xf32> to vector<16xf32>
    tpu.vector_store %arg14[%swap3A_309], %swap3A_312 {strides = array<i32>} : memref<128xf32, #tpu.memory_space<vmem>>, vector<16xf32>,
    %broadcast_in_dim3A_313 = arith.constant 0.000000e+00 : f32
    %broadcast_in_dim3A_314 = vector.broadcast %broadcast_in_dim3A_313 : f32 to vector<16xf32>
    %swap3A_315 = arith.constant 64 : index
    %swap3A_316 = tpu.vector_load %arg14[%swap3A_315] {strides = array<i32>} : memref<128xf32, #tpu.memory_space<vmem>>, vector<16xf32>,
    %swap3A_317 = vector.shape_cast %swap3A_316 : vector<16xf32> to vector<16xf32>
    %swap3A_318 = vector.shape_cast %broadcast_in_dim3A_314 : vector<16xf32> to vector<16xf32>
    tpu.vector_store %arg14[%swap3A_315], %swap3A_318 {strides = array<i32>} : memref<128xf32, #tpu.memory_space<vmem>>, vector<16xf32>,
    %broadcast_in_dim3A_319 = arith.constant 0.000000e+00 : f32
    %broadcast_in_dim3A_320 = vector.broadcast %broadcast_in_dim3A_319 : f32 to vector<16xf32>
    %swap3A_321 = arith.constant 80 : index
    %swap3A_322 = tpu.vector_load %arg14[%swap3A_321] {strides = array<i32>} : memref<128xf32, #tpu.memory_space<vmem>>, vector<16xf32>,
    %swap3A_323 = vector.shape_cast %swap3A_322 : vector<16xf32> to vector<16xf32>
    %swap3A_324 = vector.shape_cast %broadcast_in_dim3A_320 : vector<16xf32> to vector<16xf32>
    tpu.vector_store %arg14[%swap3A_321], %swap3A_324 {strides = array<i32>} : memref<128xf32, #tpu.memory_space<vmem>>, vector<16xf32>,
    %broadcast_in_dim3A_325 = arith.constant 0.000000e+00 : f32
    %broadcast_in_dim3A_326 = vector.broadcast %broadcast_in_dim3A_325 : f32 to vector<16xf32>
    %swap3A_327 = arith.constant 96 : index
    %swap3A_328 = tpu.vector_load %arg14[%swap3A_327] {strides = array<i32>} : memref<128xf32, #tpu.memory_space<vmem>>, vector<16xf32>,
    %swap3A_329 = vector.shape_cast %swap3A_328 : vector<16xf32> to vector<16xf32>
    %swap3A_330 = vector.shape_cast %broadcast_in_dim3A_326 : vector<16xf32> to vector<16xf32>
    tpu.vector_store %arg14[%swap3A_327], %swap3A_330 {strides = array<i32>} : memref<128xf32, #tpu.memory_space<vmem>>, vector<16xf32>,
    %broadcast_in_dim3A_331 = arith.constant 0.000000e+00 : f32
    %broadcast_in_dim3A_332 = vector.broadcast %broadcast_in_dim3A_331 : f32 to vector<16xf32>
    %swap3A_333 = arith.constant 112 : index
    %swap3A_334 = tpu.vector_load %arg14[%swap3A_333] {strides = array<i32>} : memref<128xf32, #tpu.memory_space<vmem>>, vector<16xf32>,
    %swap3A_335 = vector.shape_cast %swap3A_334 : vector<16xf32> to vector<16xf32>
    %swap3A_336 = vector.shape_cast %broadcast_in_dim3A_332 : vector<16xf32> to vector<16xf32>
    tpu.vector_store %arg14[%swap3A_333], %swap3A_336 {strides = array<i32>} : memref<128xf32, #tpu.memory_space<vmem>>, vector<16xf32>,
    %swap3A_337 = arith.constant 0 : index
    %swap3A_338 = tpu.vector_load %arg14[%swap3A_337] {strides = array<i32>} : memref<128xf32, #tpu.memory_space<vmem>>, vector<16xf32>,
    %swap3A_339 = vector.shape_cast %swap3A_338 : vector<16xf32> to vector<16xf32>
    %swap3A_340 = vector.shape_cast %scan3A_287 : vector<16xf32> to vector<16xf32>
    tpu.vector_store %arg14[%swap3A_337], %swap3A_340 {strides = array<i32>} : memref<128xf32, #tpu.memory_space<vmem>>, vector<16xf32>,
    "tpu.region"() ({
      %run_scoped3A_346 = tpu.sem_alloc : memref<!tpu.dma_semaphore, #tpu.memory_space<semaphore_mem>>
      %dma_start3A_347 = arith.constant 0 : i32
      %dma_start3A_348 = tpu.memref_slice %arg7[%add3A, %dma_start3A_347] : memref<32x128xf32, #tpu.memory_space<hbm>> -> memref<1x128xf32, #tpu.memory_space<hbm>>
      %dma_start3A_349 = tpu.memref_squeeze %dma_start3A_348 : memref<1x128xf32, #tpu.memory_space<hbm>> -> memref<128xf32, #tpu.memory_space<hbm>>
      %dma_start3A_350 = arith.constant 0 : i32
      %dma_start3A_351 = tpu.memref_slice %arg7[%add3A, %dma_start3A_350] : memref<32x128xf32, #tpu.memory_space<hbm>> -> memref<1x128xf32, #tpu.memory_space<hbm>>
      %dma_start3A_352 = tpu.memref_squeeze %dma_start3A_351 : memref<1x128xf32, #tpu.memory_space<hbm>> -> memref<128xf32, #tpu.memory_space<hbm>>
      tpu.enqueue_dma source(%arg14 : memref<128xf32, #tpu.memory_space<vmem>>) target(%dma_start3A_352 : memref<128xf32, #tpu.memory_space<hbm>>) target_semaphore(%run_scoped3A_346 : memref<!tpu.dma_semaphore, #tpu.memory_space<semaphore_mem>>)
      %dma_wait3A_353 = arith.constant 0 : i32
      %dma_wait3A_354 = tpu.memref_slice %arg7[%add3A, %dma_wait3A_353] : memref<32x128xf32, #tpu.memory_space<hbm>> -> memref<1x128xf32, #tpu.memory_space<hbm>>
      %dma_wait3A_355 = tpu.memref_squeeze %dma_wait3A_354 : memref<1x128xf32, #tpu.memory_space<hbm>> -> memref<128xf32, #tpu.memory_space<hbm>>
      %dma_wait3A_356 = arith.constant 0 : i32
      %dma_wait3A_357 = tpu.memref_slice %arg7[%add3A, %dma_wait3A_356] : memref<32x128xf32, #tpu.memory_space<hbm>> -> memref<1x128xf32, #tpu.memory_space<hbm>>
      %dma_wait3A_358 = tpu.memref_squeeze %dma_wait3A_357 : memref<1x128xf32, #tpu.memory_space<hbm>> -> memref<128xf32, #tpu.memory_space<hbm>>
      tpu.wait_dma2 semaphore(%run_scoped3A_346 : memref<!tpu.dma_semaphore, #tpu.memory_space<semaphore_mem>>) src(%arg14 : memref<128xf32, #tpu.memory_space<vmem>>) dst(%dma_wait3A_358 : memref<128xf32, #tpu.memory_space<hbm>>)
      tpu.yield
    }) : () -> ()
    "tpu.region"() ({
      %run_scoped3A_346 = tpu.sem_alloc : memref<!tpu.dma_semaphore, #tpu.memory_space<semaphore_mem>>
      %dma_start3A_347 = arith.constant 0 : i32
      %dma_start3A_348 = tpu.memref_slice %arg5[%mul3A_2, %dma_start3A_347] : memref<8192x32xf32, #tpu.memory_space<hbm>> -> memref<256x32xf32, #tpu.memory_space<hbm>>
      %dma_start3A_349 = arith.constant 0 : i32
      %dma_start3A_350 = tpu.memref_slice %arg5[%mul3A_2, %dma_start3A_349] : memref<8192x32xf32, #tpu.memory_space<hbm>> -> memref<256x32xf32, #tpu.memory_space<hbm>>
      tpu.enqueue_dma source(%arg11 : memref<256x32xf32, #tpu.memory_space<vmem>>) target(%dma_start3A_350 : memref<256x32xf32, #tpu.memory_space<hbm>>) target_semaphore(%run_scoped3A_346 : memref<!tpu.dma_semaphore, #tpu.memory_space<semaphore_mem>>)
      %dma_wait3A_351 = arith.constant 0 : i32
      %dma_wait3A_352 = tpu.memref_slice %arg5[%mul3A_2, %dma_wait3A_351] : memref<8192x32xf32, #tpu.memory_space<hbm>> -> memref<256x32xf32, #tpu.memory_space<hbm>>
      %dma_wait3A_353 = arith.constant 0 : i32
      %dma_wait3A_354 = tpu.memref_slice %arg5[%mul3A_2, %dma_wait3A_353] : memref<8192x32xf32, #tpu.memory_space<hbm>> -> memref<256x32xf32, #tpu.memory_space<hbm>>
      tpu.wait_dma2 semaphore(%run_scoped3A_346 : memref<!tpu.dma_semaphore, #tpu.memory_space<semaphore_mem>>) src(%arg11 : memref<256x32xf32, #tpu.memory_space<vmem>>) dst(%dma_wait3A_354 : memref<256x32xf32, #tpu.memory_space<hbm>>)
      tpu.yield
    }) : () -> ()
    %barrier3A_341 = arith.constant 0 : index
    tpu.barrier barrier_id(%barrier3A_341)
    %mul3A_342 = arith.constant 512 : i32
    %mul3A_343 = arith.muli %arg1, %mul3A_342 : i32
    "tpu.region"() ({
      %run_scoped3A_346 = tpu.sem_alloc : memref<!tpu.dma_semaphore, #tpu.memory_space<semaphore_mem>>
      %dma_start3A_347 = arith.constant 0 : i32
      %dma_start3A_348 = tpu.memref_slice %arg12[%dma_start3A_347] : memref<512xf32, #tpu.memory_space<vmem>> -> memref<512xf32, #tpu.memory_space<vmem>>
      %dma_start3A_349 = tpu.memref_slice %arg15[%mul3A_343] : memref<8192xf32, #tpu.memory_space<vmem_shared>> -> memref<512xf32, #tpu.memory_space<vmem_shared>>
      %dma_start3A_350 = arith.constant 0 : i32
      %dma_start3A_351 = tpu.memref_slice %arg12[%dma_start3A_350] : memref<512xf32, #tpu.memory_space<vmem>> -> memref<512xf32, #tpu.memory_space<vmem>>
      %dma_start3A_352 = tpu.memref_slice %arg15[%mul3A_343] : memref<8192xf32, #tpu.memory_space<vmem_shared>> -> memref<512xf32, #tpu.memory_space<vmem_shared>>
      tpu.enqueue_dma source(%dma_start3A_352 : memref<512xf32, #tpu.memory_space<vmem_shared>>) target(%dma_start3A_351 : memref<512xf32, #tpu.memory_space<vmem>>) target_semaphore(%run_scoped3A_346 : memref<!tpu.dma_semaphore, #tpu.memory_space<semaphore_mem>>)
      %dma_wait3A_353 = arith.constant 0 : i32
      %dma_wait3A_354 = tpu.memref_slice %arg12[%dma_wait3A_353] : memref<512xf32, #tpu.memory_space<vmem>> -> memref<512xf32, #tpu.memory_space<vmem>>
      %dma_wait3A_355 = tpu.memref_slice %arg15[%mul3A_343] : memref<8192xf32, #tpu.memory_space<vmem_shared>> -> memref<512xf32, #tpu.memory_space<vmem_shared>>
      %dma_wait3A_356 = arith.constant 0 : i32
      %dma_wait3A_357 = tpu.memref_slice %arg12[%dma_wait3A_356] : memref<512xf32, #tpu.memory_space<vmem>> -> memref<512xf32, #tpu.memory_space<vmem>>
      %dma_wait3A_358 = tpu.memref_slice %arg15[%mul3A_343] : memref<8192xf32, #tpu.memory_space<vmem_shared>> -> memref<512xf32, #tpu.memory_space<vmem_shared>>
      tpu.wait_dma2 semaphore(%run_scoped3A_346 : memref<!tpu.dma_semaphore, #tpu.memory_space<semaphore_mem>>) src(%dma_wait3A_358 : memref<512xf32, #tpu.memory_space<vmem_shared>>) dst(%dma_wait3A_357 : memref<512xf32, #tpu.memory_space<vmem>>)
      tpu.yield
    }) : () -> ()
    %mul3A_344 = arith.constant 512 : i32
    %mul3A_345 = arith.muli %arg1, %mul3A_344 : i32
    "tpu.region"() ({
      %run_scoped3A_346 = tpu.sem_alloc : memref<!tpu.dma_semaphore, #tpu.memory_space<semaphore_mem>>
      %dma_start3A_347 = arith.constant 0 : i32
      %dma_start3A_348 = tpu.memref_slice %arg12[%dma_start3A_347] : memref<512xf32, #tpu.memory_space<vmem>> -> memref<512xf32, #tpu.memory_space<vmem>>
      %dma_start3A_349 = tpu.memref_slice %arg6[%arg0, %mul3A_345] : memref<2x8192xf32, #tpu.memory_space<hbm>> -> memref<1x512xf32, #tpu.memory_space<hbm>>
      %dma_start3A_350 = tpu.memref_squeeze %dma_start3A_349 : memref<1x512xf32, #tpu.memory_space<hbm>> -> memref<512xf32, #tpu.memory_space<hbm>>
      %dma_start3A_351 = tpu.memref_slice %arg6[%arg0, %mul3A_345] : memref<2x8192xf32, #tpu.memory_space<hbm>> -> memref<1x512xf32, #tpu.memory_space<hbm>>
      %dma_start3A_352 = tpu.memref_squeeze %dma_start3A_351 : memref<1x512xf32, #tpu.memory_space<hbm>> -> memref<512xf32, #tpu.memory_space<hbm>>
      %dma_start3A_353 = arith.constant 0 : i32
      %dma_start3A_354 = tpu.memref_slice %arg12[%dma_start3A_353] : memref<512xf32, #tpu.memory_space<vmem>> -> memref<512xf32, #tpu.memory_space<vmem>>
      tpu.enqueue_dma source(%dma_start3A_354 : memref<512xf32, #tpu.memory_space<vmem>>) target(%dma_start3A_352 : memref<512xf32, #tpu.memory_space<hbm>>) target_semaphore(%run_scoped3A_346 : memref<!tpu.dma_semaphore, #tpu.memory_space<semaphore_mem>>)
      %dma_wait3A_355 = arith.constant 0 : i32
      %dma_wait3A_356 = tpu.memref_slice %arg12[%dma_wait3A_355] : memref<512xf32, #tpu.memory_space<vmem>> -> memref<512xf32, #tpu.memory_space<vmem>>
      %dma_wait3A_357 = tpu.memref_slice %arg6[%arg0, %mul3A_345] : memref<2x8192xf32, #tpu.memory_space<hbm>> -> memref<1x512xf32, #tpu.memory_space<hbm>>
      %dma_wait3A_358 = tpu.memref_squeeze %dma_wait3A_357 : memref<1x512xf32, #tpu.memory_space<hbm>> -> memref<512xf32, #tpu.memory_space<hbm>>
      %dma_wait3A_359 = tpu.memref_slice %arg6[%arg0, %mul3A_345] : memref<2x8192xf32, #tpu.memory_space<hbm>> -> memref<1x512xf32, #tpu.memory_space<hbm>>
      %dma_wait3A_360 = tpu.memref_squeeze %dma_wait3A_359 : memref<1x512xf32, #tpu.memory_space<hbm>> -> memref<512xf32, #tpu.memory_space<hbm>>
      %dma_wait3A_361 = arith.constant 0 : i32
      %dma_wait3A_362 = tpu.memref_slice %arg12[%dma_wait3A_361] : memref<512xf32, #tpu.memory_space<vmem>> -> memref<512xf32, #tpu.memory_space<vmem>>
      tpu.wait_dma2 semaphore(%run_scoped3A_346 : memref<!tpu.dma_semaphore, #tpu.memory_space<semaphore_mem>>) src(%dma_wait3A_362 : memref<512xf32, #tpu.memory_space<vmem>>) dst(%dma_wait3A_360 : memref<512xf32, #tpu.memory_space<hbm>>)
      tpu.yield
    }) : () -> ()
    return
  }
}

module attributes {stable_mosaic.version = 14 : i64} {
  func.func @_argmin_body(%arg0: i32, %arg1: memref<1024x32xf32, #tpu.memory_space<vmem>>, %arg2: memref<1024x1xf32, #tpu.memory_space<vmem>>, %arg3: memref<8192x32xf32, #tpu.memory_space<vmem>>, %arg4: memref<1x8192xf32, #tpu.memory_space<vmem>>, %arg5: memref<1024x1xi32, #tpu.memory_space<vmem>>) attributes {dimension_semantics = [#tpu.dimension_semantics<arbitrary>], iteration_bounds = array<i64: 8>, scalar_prefetch = 0 : i64, scratch_operands = 0 : i64, tpu.core_type = #tpu.core_type<tc>, window_params = [{transform_indices = @transform_0, window_bounds = array<i64: 1024, 32>}, {transform_indices = @transform_1, window_bounds = array<i64: 1024, 1>}, {pipeline_mode = #tpu.pipeline_mode<synchronous>, transform_indices = @transform_2, window_bounds = array<i64: 8192, 32>}, {pipeline_mode = #tpu.pipeline_mode<synchronous>, transform_indices = @transform_3, window_bounds = array<i64: 1, 8192>}, {transform_indices = @transform_4, window_bounds = array<i64: 1024, 1>}]} {
    %get3A = arith.constant 0 : index
    %get3A_0 = arith.constant 0 : index
    %get3A_1 = vector.load %arg1[%get3A, %get3A_0] : memref<1024x32xf32, #tpu.memory_space<vmem>>, vector<1024x32xf32>
    %get3A_2 = arith.constant 0 : index
    %get3A_3 = arith.constant 0 : index
    %get3A_4 = vector.load %arg2[%get3A_2, %get3A_3] : memref<1024x1xf32, #tpu.memory_space<vmem>>, vector<1024x1xf32>
    %broadcast_in_dim3A = arith.constant 0x7F800000 : f32
    %broadcast_in_dim3A_5 = vector.broadcast %broadcast_in_dim3A : f32 to vector<1024x1xf32>
    %broadcast_in_dim3A_6 = arith.constant 0 : i32
    %broadcast_in_dim3A_7 = vector.broadcast %broadcast_in_dim3A_6 : i32 to vector<1024x1xi32>
    %scan3A = arith.constant 0 : i32
    %mul3A = arith.constant 8192 : i32
    %mul3A_8 = arith.muli %scan3A, %mul3A : i32
    %get3A_9 = arith.index_cast %mul3A_8 : i32 to index
    %get3A_10 = arith.constant 0 : index
    %get3A_11 = vector.load %arg3[%get3A_9, %get3A_10] : memref<8192x32xf32, #tpu.memory_space<vmem>>, vector<8192x32xf32>
    %dot_general3A = arith.constant dense<0.000000e+00> : vector<1024x8192xf32>
    %dot_general3A_12 = tpu.matmul %get3A_1, %get3A_11, %dot_general3A {dimension_numbers = #tpu.dot_dimension_numbers<[1], [1], [0], [0], [0, 0, 1, 0], [], []>, transpose_lhs_hint = false} : vector<1024x32xf32>, vector<8192x32xf32>, vector<1024x8192xf32> -> vector<1024x8192xf32>
    %mul3A_13 = arith.constant 8192 : i32
    %mul3A_14 = arith.muli %scan3A, %mul3A_13 : i32
    %get3A_15 = arith.constant 0 : index
    %get3A_16 = arith.index_cast %mul3A_14 : i32 to index
    %get3A_17 = vector.load %arg4[%get3A_15, %get3A_16] : memref<1x8192xf32, #tpu.memory_space<vmem>>, vector<1x8192xf32>
    %add3A = vector.broadcast %get3A_4 : vector<1024x1xf32> to vector<1024x8192xf32>
    %add3A_18 = vector.broadcast %get3A_17 : vector<1x8192xf32> to vector<1024x8192xf32>
    %add3A_19 = arith.addf %add3A, %add3A_18 : vector<1024x8192xf32>
    %mul3A_20 = arith.constant 2.000000e+00 : f32
    %mul3A_21 = vector.broadcast %mul3A_20 : f32 to vector<1024x8192xf32>
    %mul3A_22 = arith.mulf %mul3A_21, %dot_general3A_12 : vector<1024x8192xf32>
    %sub3A = arith.subf %add3A_19, %mul3A_22 : vector<1024x8192xf32>
    %reduce_min3A = arith.constant dense<0x7F800000> : vector<1024xf32>
    %reduce_min3A_23 = vector.multi_reduction <minimumf>, %sub3A, %reduce_min3A [1] : vector<1024x8192xf32> to vector<1024xf32>
    %broadcast_in_dim3A_24 = vector.shape_cast %reduce_min3A_23 : vector<1024xf32> to vector<1024x1xf32>
    %iota3A = tpu.iota {dimensions = array<i32: 1>} : vector<1024x8192xi32>
    %mul3A_25 = arith.constant 8192 : i32
    %mul3A_26 = arith.muli %scan3A, %mul3A_25 : i32
    %add3A_27 = vector.broadcast %mul3A_26 : i32 to vector<1024x8192xi32>
    %add3A_28 = arith.addi %iota3A, %add3A_27 : vector<1024x8192xi32>
    %eq3A = vector.broadcast %broadcast_in_dim3A_24 : vector<1024x1xf32> to vector<1024x8192xf32>
    %eq3A_29 = arith.cmpf oeq, %sub3A, %eq3A : vector<1024x8192xf32>
    %jit3A = arith.constant 2147483647 : i32
    %broadcast_in_dim3A_30 = vector.broadcast %jit3A : i32 to vector<1024x8192xi32>
    %select_n3A = arith.select %eq3A_29, %add3A_28, %broadcast_in_dim3A_30 : vector<1024x8192xi1>, vector<1024x8192xi32>
    %reduce_min3A_31 = arith.constant dense<2147483647> : vector<1024xi32>
    %reduce_min3A_32 = vector.multi_reduction <minsi>, %select_n3A, %reduce_min3A_31 [1] : vector<1024x8192xi32> to vector<1024xi32>
    %broadcast_in_dim3A_33 = vector.shape_cast %reduce_min3A_32 : vector<1024xi32> to vector<1024x1xi32>
    %lt3A = arith.cmpf olt, %broadcast_in_dim3A_24, %broadcast_in_dim3A_5 : vector<1024x1xf32>
    %select_n3A_34 = arith.select %lt3A, %broadcast_in_dim3A_24, %broadcast_in_dim3A_5 : vector<1024x1xi1>, vector<1024x1xf32>
    %select_n3A_35 = arith.select %lt3A, %broadcast_in_dim3A_33, %broadcast_in_dim3A_7 : vector<1024x1xi1>, vector<1024x1xi32>
    %scan3A_36 = arith.constant 1 : i32
    %swap3A = arith.constant 0 : index
    %swap3A_37 = arith.constant 0 : index
    %swap3A_38 = vector.load %arg5[%swap3A, %swap3A_37] : memref<1024x1xi32, #tpu.memory_space<vmem>>, vector<1024x1xi32>
    tpu.vector_store %arg5[%swap3A, %swap3A_37], %select_n3A_35 {strides = array<i32>} : memref<1024x1xi32, #tpu.memory_space<vmem>>, vector<1024x1xi32>,
    return
  }
  func.func @transform_0(%arg0: i32) -> (i32, i32) {
    %c0_i32 = arith.constant 0 : i32
    %c0_i32_0 = arith.constant 0 : i32
    return %arg0, %c0_i32 : i32, i32
  }
  func.func @transform_1(%arg0: i32) -> (i32, i32) {
    %c0_i32 = arith.constant 0 : i32
    %c0_i32_0 = arith.constant 0 : i32
    return %arg0, %c0_i32 : i32, i32
  }
  func.func @transform_2(%arg0: i32) -> (i32, i32) {
    %c0_i32 = arith.constant 0 : i32
    %c0_i32_0 = arith.constant 0 : i32
    %c0_i32_1 = arith.constant 0 : i32
    return %c0_i32, %c0_i32_0 : i32, i32
  }
  func.func @transform_3(%arg0: i32) -> (i32, i32) {
    %c0_i32 = arith.constant 0 : i32
    %c0_i32_0 = arith.constant 0 : i32
    %c0_i32_1 = arith.constant 0 : i32
    return %c0_i32, %c0_i32_0 : i32, i32
  }
  func.func @transform_4(%arg0: i32) -> (i32, i32) {
    %c0_i32 = arith.constant 0 : i32
    %c0_i32_0 = arith.constant 0 : i32
    return %arg0, %c0_i32 : i32, i32
  }
}

module attributes {stable_mosaic.version = 14 : i64} {
  func.func @_loss_body(%arg0: memref<2x8192xf32, #tpu.memory_space<vmem>>, %arg1: memref<32x128xf32, #tpu.memory_space<vmem>>, %arg2: memref<1x1xf32, #tpu.memory_space<vmem>>) attributes {dimension_semantics = [], scalar_prefetch = 0 : i64, scratch_operands = 0 : i64, tpu.core_type = #tpu.core_type<tc>} {
    %get3A = arith.constant 0 : index
    %get3A_0 = arith.constant 0 : index
    %get3A_1 = vector.load %arg0[%get3A, %get3A_0] : memref<2x8192xf32, #tpu.memory_space<vmem>>, vector<2x8192xf32>
    %slice3A = vector.extract_strided_slice %get3A_1 {offsets = [0, 0], sizes = [1, 8192], strides = [1, 1]} : vector<2x8192xf32> to vector<1x8192xf32>
    %slice3A_2 = vector.extract_strided_slice %get3A_1 {offsets = [1, 0], sizes = [1, 8192], strides = [1, 1]} : vector<2x8192xf32> to vector<1x8192xf32>
    %add3A = arith.addf %slice3A, %slice3A_2 : vector<1x8192xf32>
    %mul3A = arith.constant 1.22070313E-4 : f32
    %mul3A_3 = vector.broadcast %mul3A : f32 to vector<1x8192xf32>
    %mul3A_4 = arith.mulf %add3A, %mul3A_3 : vector<1x8192xf32>
    %add3A_5 = arith.constant 1.000000e-10 : f32
    %add3A_6 = vector.broadcast %add3A_5 : f32 to vector<1x8192xf32>
    %add3A_7 = arith.addf %mul3A_4, %add3A_6 : vector<1x8192xf32>
    %log3A = math.log %add3A_7 : vector<1x8192xf32>
    %mul3A_8 = arith.mulf %mul3A_4, %log3A : vector<1x8192xf32>
    %reduce_sum3A = vector.shape_cast %mul3A_8 : vector<1x8192xf32> to vector<1x1x8192xf32>
    %reduce_sum3A_9 = arith.constant dense<0.000000e+00> : vector<1xf32>
    %reduce_sum3A_10 = vector.multi_reduction <add>, %reduce_sum3A, %reduce_sum3A_9 [1, 2] : vector<1x1x8192xf32> to vector<1xf32>
    %reduce_sum3A_11 = vector.shape_cast %reduce_sum3A_10 : vector<1xf32> to vector<1x1x1xf32>
    %reduce_sum3A_12 = vector.extract %reduce_sum3A_11[0, 0, 0] : f32 from vector<1x1x1xf32>
    %neg3A = arith.constant 0.000000e+00 : f32
    %neg3A_13 = arith.subf %neg3A, %reduce_sum3A_12 : f32
    %sub3A = arith.constant 1.22070313E-4 : f32
    %sub3A_14 = vector.broadcast %sub3A : f32 to vector<1x8192xf32>
    %sub3A_15 = arith.subf %mul3A_4, %sub3A_14 : vector<1x8192xf32>
    %integer_pow3A = arith.mulf %sub3A_15, %sub3A_15 : vector<1x8192xf32>
    %reduce_sum3A_16 = vector.shape_cast %integer_pow3A : vector<1x8192xf32> to vector<1x1x8192xf32>
    %reduce_sum3A_17 = arith.constant dense<0.000000e+00> : vector<1xf32>
    %reduce_sum3A_18 = vector.multi_reduction <add>, %reduce_sum3A_16, %reduce_sum3A_17 [1, 2] : vector<1x1x8192xf32> to vector<1xf32>
    %reduce_sum3A_19 = vector.shape_cast %reduce_sum3A_18 : vector<1xf32> to vector<1x1x1xf32>
    %reduce_sum3A_20 = vector.extract %reduce_sum3A_19[0, 0, 0] : f32 from vector<1x1x1xf32>
    %mul3A_21 = arith.constant 8.192000e+03 : f32
    %mul3A_22 = vector.broadcast %mul3A_21 : f32 to vector<1x8192xf32>
    %mul3A_23 = arith.mulf %mul3A_4, %mul3A_22 : vector<1x8192xf32>
    %add3A_24 = arith.constant 1.000000e-10 : f32
    %add3A_25 = vector.broadcast %add3A_24 : f32 to vector<1x8192xf32>
    %add3A_26 = arith.addf %mul3A_23, %add3A_25 : vector<1x8192xf32>
    %log3A_27 = math.log %add3A_26 : vector<1x8192xf32>
    %mul3A_28 = arith.mulf %mul3A_4, %log3A_27 : vector<1x8192xf32>
    %reduce_sum3A_29 = vector.shape_cast %mul3A_28 : vector<1x8192xf32> to vector<1x1x8192xf32>
    %reduce_sum3A_30 = arith.constant dense<0.000000e+00> : vector<1xf32>
    %reduce_sum3A_31 = vector.multi_reduction <add>, %reduce_sum3A_29, %reduce_sum3A_30 [1, 2] : vector<1x1x8192xf32> to vector<1xf32>
    %reduce_sum3A_32 = vector.shape_cast %reduce_sum3A_31 : vector<1xf32> to vector<1x1x1xf32>
    %reduce_sum3A_33 = vector.extract %reduce_sum3A_32[0, 0, 0] : f32 from vector<1x1x1xf32>
    %get3A_34 = arith.constant 0 : index
    %get3A_35 = arith.constant 0 : index
    %get3A_36 = vector.load %arg1[%get3A_34, %get3A_35] : memref<32x128xf32, #tpu.memory_space<vmem>>, vector<32x128xf32>
    %reduce_sum3A_37 = vector.shape_cast %get3A_36 : vector<32x128xf32> to vector<1x32x128xf32>
    %reduce_sum3A_38 = arith.constant dense<0.000000e+00> : vector<1xf32>
    %reduce_sum3A_39 = vector.multi_reduction <add>, %reduce_sum3A_37, %reduce_sum3A_38 [1, 2] : vector<1x32x128xf32> to vector<1xf32>
    %reduce_sum3A_40 = vector.shape_cast %reduce_sum3A_39 : vector<1xf32> to vector<1x1x1xf32>
    %reduce_sum3A_41 = vector.extract %reduce_sum3A_40[0, 0, 0] : f32 from vector<1x1x1xf32>
    %mul3A_42 = arith.constant 3.81469727E-6 : f32
    %mul3A_43 = arith.mulf %reduce_sum3A_41, %mul3A_42 : f32
    %mul3A_44 = arith.constant 2.500000e-01 : f32
    %mul3A_45 = arith.mulf %mul3A_44, %mul3A_43 : f32
    %add3A_46 = arith.addf %mul3A_43, %mul3A_45 : f32
    %sub3A_47 = arith.subf %add3A_46, %neg3A_13 : f32
    %add3A_48 = arith.addf %sub3A_47, %reduce_sum3A_20 : f32
    %add3A_49 = arith.addf %add3A_48, %reduce_sum3A_33 : f32
    %broadcast_in_dim3A = vector.broadcast %add3A_49 : f32 to vector<1x1xf32>
    %swap3A = arith.constant 0 : index
    %swap3A_50 = arith.constant 0 : index
    %swap3A_51 = vector.load %arg2[%swap3A, %swap3A_50] : memref<1x1xf32, #tpu.memory_space<vmem>>, vector<1x1xf32>
    tpu.vector_store %arg2[%swap3A, %swap3A_50], %broadcast_in_dim3A {strides = array<i32>} : memref<1x1xf32, #tpu.memory_space<vmem>>, vector<1x1xf32>,
    return
  }
}

</mosaic_0001>

<sc_bundles>
// kernel: kernel.5.cloned.1.call-start
scs
__scs_entry_jumppad:
0x0: {  	(pc) =	sbr.rel $0x88, $3  }
0x1: {  	(tag) =	ssettag $0x0;
	lr =	simm.s32 $0x1  }
0x2: {  	[smem:$0x3F9F] =	sst lr;
	_ =	strace $0xD0000000  }
0x3: {  	_ = 	snop  }
0x4: {  	_ = 	snop  }
0x5: {  	_ = 	snop  }
0x6: {  	_ = 	snop  }
0x7: {  	_ = 	snop  }
__scs_overlays_trampoline_lowered:
0x8: {  	[smem:$0x3FAE] =	sst s0  }
0x9: {  	[smem:$0x3FAF] =	sst s1  }
0xa: {  	[smem:$0x3FB0] =	sst s2  }
0xb: {  	[smem:$0x3FB1] =	sst s3  }
0xc: {  	[smem:$0x3FB2] =	sst s4  }
0xd: {  	[smem:$0x3FB3] =	sst s5  }
0xe: {  	[smem:$0x3FB4] =	sst s6  }
0xf: {  	[smem:$0x3FB5] =	sst s7  }
0x10: {  	[smem:$0x3FB6] =	sst s8  }
0x11: {  	[smem:$0x3FB7] =	sst s9;
	s0 =	simm.s32 @!p0 $0x0  }
0x12: {  	s1 =	sld [smem:$0x3F9D];
	s0 =	simm.s32 @p0 $0x1  }
0x13: {  	[smem:$0x3FB8] =	sst s0;
	s0 =	simm.s32 @!p1 $0x0  }
0x14: {  	s2 =	sld [smem:$0x3F9C];
	s0 =	simm.s32 @p1 $0x1  }
0x15: {  	[smem:$0x3FB9] =	sst s0;
	s0 =	simm.s32 @!p2 $0x0  }
0x16: {  	s3 =	sld [smem:$0x3FDB];
	s0 =	simm.s32 @p2 $0x1  }
0x17: {  	s4 =	simm.s32 $0x1BF5;
	[smem:$0x3FBB] =	sst s0  }
0x18: {  	s0 =	sld [smem:$0x3F9E];
	_ =	swait.ge [sflag:s4], $0x0  }
0x19: {  	s7 =	sld [smem:$0x3F9F]  }
0x1a: {  	s8 =	sadd.s32 $0xFFFFE003, lr  }
0x1b: {  	s9 =	sadd.s32 $0xFFFFFEF7, lr;
	s5 =	simm.s32 $0xFFFFFFFF;
	p2 =	slt.u32 s8, $0xFFFFF086  }
0x1c: {  	p1 =	slt.u32 s9, $0xF7A;
	s5 =	simm.s32 @!p2 $0x0  }
0x1d: {  	s5 =	simm.s32 @p1 $0x1;
	p0 =	seq.s32 s7, s2  }
0x1e: {  	s7 =	smul.u32 @!p0 $0xF7A, s2;
	p2 =	seq.s32 @!p0 s5, $0x0  }
0x1f: {  	s9 =	smul.u32 $0xF7A, s1;
	s8 =	simm.s32 @!p0 $0x1BF5;
	p2 =	por !p2, p0  }
0x20: {  	[sflag:s8] =	ssyncset.s32 @!p0 $0xFFFFF086;
	s6 =	sadd.s32 @!p0 s3, s7;
	s7 =	simm.s32 @!p0 $0x108  }
0x21: {  	s3 =	sadd.s32 s3, s9;
	s6 =	sadd.s32 @!p0 $0x88, s6;
	s7 =	simm.s32 @p2 $0x1082  }
0x22: {  	[simem:s7], [sflag:s8] =	dma.local @!p0 [hbm:s6], $0xF7A  }
0x23: {  	s9 =	sor.u32 $0xD0000000, s2;
	s6 =	simm.s32 $0x108;
	_ =	swait.ge @!p0 [sflag:s8], $0x0  }
0x24: {  	s3 =	sadd.s32 $0x88, s3;
	s6 =	simm.s32 @!p1 $0x1082;
	[sflag:s4] =	ssyncset.s32 $0xFFFFF086  }
0x25: {  	[simem:s6], [sflag:s4] =	dma.local [hbm:s3], $0xF7A  }
0x26: {  	[smem:$0x3F9F] =	sst s1;
	(tag) =	ssettag s2;
	_ =	strace s9  }
0x27: {  	s1 =	sld [smem:$0x3FAF]  }
0x28: {  	s2 =	sld [smem:$0x3FB0]  }
0x29: {  	s4 =	sld [smem:$0x3FB2]  }
0x2a: {  	p0 =	seq.s32 s5, $0x0;
	s5 =	sld [smem:$0x3FB3]  }
0x2b: {  	s6 =	sld [smem:$0x3FB4]  }
0x2c: {  	s7 =	sld [smem:$0x3FB5]  }
0x2d: {  	s3 =	simm.s32 $0x108;
	s8 =	sld [smem:$0x3FB6]  }
0x2e: {  	s3 =	simm.s32 @!p0 $0x1082;
	s9 =	sld [smem:$0x3FB7]  }
0x2f: {  	lr =	sadd.s32 s0, s3;
	s0 =	sld [smem:$0x3FAE]  }
0x30: {  	s3 =	sld [smem:$0x3FB1]  }
0x31: {  	[smem:$0x3FBA] =	sst s10  }
0x32: {  	s10 =	sld [smem:$0x3FB8];
	_ =	sdelay $0x3  }
0x33: {  	p0 =	seq.s32 s10, $0x1;
	s10 =	sld [smem:$0x3FBA];
	_ =	sdelay $0x3  }
0x34: {  	[smem:$0x3FBA] =	sst s10  }
0x35: {  	s10 =	sld [smem:$0x3FB9];
	_ =	sdelay $0x3  }
0x36: {  	p1 =	seq.s32 s10, $0x1;
	s10 =	sld [smem:$0x3FBA];
	_ =	sdelay $0x3  }
0x37: {  	[smem:$0x3FBA] =	sst s10  }
0x38: {  	s10 =	sld [smem:$0x3FBB]  }
0x39: {  	_ = 	snop;
	(pc) =	sbr.ind lr, $3  }
0x3a: {  	_ = 	snop  }
0x3b: {  	_ = 	snop  }
0x3c: {  	p2 =	seq.s32 s10, $0x1;
	s10 =	sld [smem:$0x3FBA]  }
0x3d: {  	_ =	shalt  }
0x3e: {  	_ =	shalt  }
0x3f: {  	_ =	shalt  }
0x40: {  	_ =	shalt  }
0x41: {  	_ =	shalt  }
0x42: {  	_ =	shalt  }
0x43: {  	_ =	shalt  }
0x44: {  	_ =	shalt  }
0x45: {  	_ =	shalt  }
0x46: {  	_ =	shalt  }
0x47: {  	_ =	shalt  }
0x48: {  	_ =	shalt  }
0x49: {  	_ =	shalt  }
0x4a: {  	_ =	shalt  }
0x4b: {  	_ =	shalt  }
0x4c: {  	_ =	shalt  }
0x4d: {  	_ =	shalt  }
0x4e: {  	_ =	shalt  }
0x4f: {  	_ =	shalt  }
0x50: {  	_ =	shalt  }
0x51: {  	_ =	shalt  }
0x52: {  	_ =	shalt  }
0x53: {  	_ =	shalt  }
0x54: {  	_ =	shalt  }
0x55: {  	_ =	shalt  }
0x56: {  	_ =	shalt  }
0x57: {  	_ =	shalt  }
0x58: {  	_ =	shalt  }
0x59: {  	_ =	shalt  }
0x5a: {  	_ =	shalt  }
0x5b: {  	_ =	shalt  }
0x5c: {  	_ =	shalt  }
0x5d: {  	_ =	shalt  }
0x5e: {  	_ =	shalt  }
0x5f: {  	_ =	shalt  }
0x60: {  	_ =	shalt  }
0x61: {  	_ =	shalt  }
0x62: {  	_ =	shalt  }
0x63: {  	_ =	shalt  }
0x64: {  	_ =	shalt  }
0x65: {  	_ =	shalt  }
0x66: {  	_ =	shalt  }
0x67: {  	_ =	shalt  }
0x68: {  	_ =	shalt  }
0x69: {  	_ =	shalt  }
0x6a: {  	_ =	shalt  }
0x6b: {  	_ =	shalt  }
0x6c: {  	_ =	shalt  }
0x6d: {  	_ =	shalt  }
0x6e: {  	_ =	shalt  }
0x6f: {  	_ =	shalt  }
0x70: {  	_ =	shalt  }
0x71: {  	_ =	shalt  }
0x72: {  	_ =	shalt  }
0x73: {  	_ =	shalt  }
0x74: {  	_ =	shalt  }
0x75: {  	_ =	shalt  }
0x76: {  	_ =	shalt  }
0x77: {  	_ =	shalt  }
0x78: {  	_ =	shalt  }
0x79: {  	_ =	shalt  }
0x7a: {  	_ =	shalt  }
0x7b: {  	_ =	shalt  }
0x7c: {  	_ =	shalt  }
0x7d: {  	_ =	shalt  }
0x7e: {  	_ =	shalt  }
0x7f: {  	_ =	shalt  }
0x80: {  	_ =	shalt  }
0x81: {  	_ =	shalt  }
0x82: {  	_ =	shalt  }
0x83: {  	_ =	shalt  }
0x84: {  	_ =	shalt  }
0x85: {  	_ =	shalt  }
0x86: {  	_ =	shalt  }
0x87: {  	_ =	shalt  }
.Lfunc_end0:
.L_simem_size_0:
called_computation_lowered:
.L_overlay_start_0:
0x88: {  	s2 =	sld [smem:$0x3FD9]  }
0x89: {  	s3 =	sld [smem:$0x3FFE];
	_ =	sdelay $0x1  }
0x8a: {  	s1 =	srdreg.scid  }
0x8b: {  	s0 =	sand.u32 $0x1, s1  }
0x8c: {  	s14 =	sshll.u32 s0, $0xA;
	s2 =	sadd.s32 s3, s2  }
0x8d: {  	s2 =	sadd.s32 s2, s14  }
0x8e: {  	[smem:$0x3FC6] =	sst s2  }
0x8f: {  	_ = 	snop  }
0x90: {  	s2 =	sld [smem:$0x3FD0];
	_ =	sdelay $0x2  }
0x91: {  	s15 =	simm.s32 $0xA;
	s4 =	simm.s32 $0x10  }
0x92: {  	[smem:s4], [sflag:s15] =	dma.local [hbm:s2], $0x1  }
0x93: {  	_ =	swait.eq [sflag:s15], $0x1  }
0x94: {  	[sflag:s15] =	ssyncset.done $0x0  }
0x95: {  	[sflag:s15] =	ssyncadd.s32 $0xFFFFFFFF  }
0x96: {  	s16 =	sld [smem:$0x10];
	(tm) =	ssettm $0x1  }
0x97: {  	s17 =	sld [smem:$0x3FFB];
	_ =	sdelay $0x3  }
0x98: {  	_ =	strace s17  }
0x99: {  	s3 =	sld [smem:$0x3FFC];
	_ =	sdelay $0x3  }
0x9a: {  	_ =	strace s3  }
0x9b: {  	s3 =	sld [smem:$0x3FFD];
	_ =	sdelay $0x3  }
0x9c: {  	_ =	strace s3  }
0x9d: {  	_ =	strace $0x8FFFFFFF  }
0x9e: {  	s18 =	sld [smem:$0x3FDB];
	_ =	sdelay $0x1  }
0x9f: {  	s19 =	simm.s32 $_scs_section_size  }
0xa0: {  	s5 =	simm.s32 $_size__tile_overlayer_lowered;
	s6 =	simm.s32 $_tile_overlayer_lowered  }
0xa1: {  	s22 =	simm.s32 $0x1BFF;
	s21 =	sshll.u32 s6, $0x1;
	s3 =	sadd.s32 s19, s18  }
0xa2: {  	s7 =	simm.s32 $0x0;
	s20 =	sshll.u32 s5, $0x1;
	s5 =	sadd.s32 s21, s3  }
0xa3: {  	[timem:s7], [sflag:s22] =	dma.local [hbm:s5], s20  }
0xa4: {  	_ =	swait.ge [sflag:s22], s20  }
0xa5: {  	s4 =	ssub.s32 $0x0, s20;
	[sflag:s22] =	ssyncset.done $0x0  }
0xa6: {  	[sflag:s22] =	ssyncadd.s32 s4;
	_ =	sdelay $0x1  }
0xa7: {  	s23 =	simm.s32 $0x1B8B  }
0xa8: {  	_ =	swait.ge [sflag:s23], $0x1  }
0xa9: {  	[sflag:s23] =	ssyncset.done $0x0  }
0xaa: {  	s25 =	simm.s32 $0x1B8E;
	s24 =	sld [smem:$0x3FFE];
	[sflag:s23] =	ssyncadd.s32 $0xFFFFFFFF  }
0xab: {  	s26 =	simm.s32 $execute0_lowered;
	[smem:$0x3FD2] =	sst s25  }
0xac: {  	s5 =	sshll.u32 s26, $0x1;
	_ =	strace $0x80000046;
	[dreg:$0x1] =	wrdreg $0xFFFFFFFF  }
0xad: {  	s28 =	simm.s32 $_size_execute0_lowered;
	s3 =	sadd.s32 s3, s5;
	[dreg:$0x0] =	wrdreg $0x0  }
0xae: {  	s5 =	sshll.u32 s28, $0x1;
	[dreg:$0x2] =	wrdreg s3  }
0xaf: {  	[dreg:$0x3] =	wrdreg s5  }
0xb0: {  	[dreg:$0x4] =	wrdreg $0xC0  }
0xb1: {  	_ =	task [dreg:s7], $0x5FFFF  }
0xb2: {  	[dreg:$0x1] =	wrdreg $0xFFFFFFFF  }
0xb3: {  	[dreg:$0x0] =	wrdreg $0x60  }
0xb4: {  	[dreg:$0x2] =	wrdreg s24  }
0xb5: {  	[dreg:$0x3] =	wrdreg s16  }
0xb6: {  	[dreg:$0x4] =	wrdreg $0x184000  }
0xb7: {  	[dreg:$0x5] =	wrdreg $0x9  }
0xb8: {  	_ =	task.clear_ibuf [dreg:s7], $0x6FFFF;
	_ =	strace $0x90000046  }
0xb9: {  	s29 =	simm.s32 $0x9;
	_ =	strace $0x80000048  }
0xba: {  	_ =	swait.ge [sflag:s29], $0x1  }
0xbb: {  	[sflag:s29] =	ssyncadd.s32 $0xFFFFFFFF  }
0xbc: {  	_ =	strace $0x90000048  }
0xbd: {  	_ =	sfence  }
0xbe: {  	s30 =	sld [smem:$0x0];
	_ =	sdelay $0x2  }
0xbf: {  	s31 =	sshll.u32 s1, $0xD;
	s1 =	sshrl.u32 s1, $0x2  }
0xc0: {  	s3 =	sand.u32 $0x4000, s31;
	s1 =	sadd.s32 s1, s30  }
0xc1: {  	s0 =	sor.u32 s3, s0;
	s1 =	sshll.u32 s1, $0x11  }
0xc2: {  	s0 =	sor.u32 s1, s0  }
0xc3: {  	s0 =	sadd.s32 $0x8F2B, s0  }
0xc4: {  	[sflag:s0] =	ssyncadd.remote.s32 $0x1  }
0xc5: {  	_ =	sfence.sel $0xFFFF  }
0xc6: {  	[dreg:$0x0] =	wrdreg $0xFFFFFFFF;
	(pc) =	sbr.abs _section_cstart, $3  }
0xc7: {  	[dreg:$0x1] =	wrdreg $0xFFFFFFFF  }
0xc8: {  	_ =	task.clear_ibuf [dreg:s7], $0x2FFFF;
	_ =	strace $0x9FFFFFFF  }
0xc9: {  	(tm) =	ssettm $0x7FFFFFFF  }
tec
execute0_lowered:
.L_overlay_start_1:
0x0: {  	(tag) =	ssettag $0x1  }
0x1: {  	s5 =	rddreg [dreg:$0x0]  }
0x2: {  	s6 =	rddreg [dreg:$0x1]  }
0x3: {  	s2 =	rddreg [dreg:$0x2]  }
0x4: {  	s0 =	rddreg [dreg:$0x3];
	s4 =	srdreg.scid  }
0x5: {  	s1 =	stileid.u32;
	s3 =	simm.s32 $0x0;
	s13 =	simm.s32 $0x80  }
0x6: {  	s14 =	simm.s32 $0x100;
	s15 =	simm.s32 $0x1;
	s16 =	simm.s32 $0x4100  }
0x7: {  	s17 =	simm.s32 $0x8100;
	s18 =	simm.s32 $0x18100;
	s19 =	simm.s32 $0x18300  }
0x8: {  	s20 =	simm.s32 $0x18380;
	s21 =	simm.s32 $0x10100;
	s22 =	simm.s32 $0x0  }
0x9: {  	s7 =	sand.u32 $0x1, s4;
	s28 =	sshll.u32 s1, $0x1;
	[smem:$0x7FF] =	sst s3  }
0xa: {  	s4 =	sadd.s32 $0x20200, s5;
	s30 =	sshll.u32 s1, $0x7;
	s31 =	sshll.u32 s1, $0x9  }
0xb: {  	s8 =	sor.u32 s7, s28;
	_ =	strace $0x80000047;
	s10 =	sshll.u32 s7, $0x4  }
0xc: {  	s7 =	ssub.s32 $0x2, s7;
	s9 =	sshll.u32 s8, $0xC;
	s10 =	sadd.s32 s10, s5  }
0xd: {  	s11 =	sshll.u32 s8, $0x4;
	s12 =	sshrl.u32 s7, $0x1;
	s29 =	sshll.u32 s8, $0x5  }
0xe: {  	s9 =	sadd.s32 s9, s5;
	s11 =	sadd.s32 s11, s5;
	s12 =	ssub.s32 s7, s12  }
0xf: {  	s5 =	sadd.s32 s6, s29;
	s7 =	sadd.s32 s31, s2;
	s10 =	sadd.s32 s30, s10  }
0x10: {  	s6 =	sadd.s32 $0x200, s9;
	s8 =	sadd.s32 $0x60A00, s11;
	s9 =	sadd.s32 $0x40200, s9  }
0x11: {  	v0 =	vimm.f32 $1.000000000e+00;
	v1 =	vimm.f32 $0.0e+00;
	s10 =	sadd.s32 $0x60200, s10;
	s11 =	smax.u32 s12, $0x1;
	s12 =	simm.s32 $0x2  }
.LBB2_1:
0x12: {  	[tilespmem:s3], [sflag:$0x2] =	stream.linear.gather [hbm4b:s5+s3], $0x100, $0x38;
	[tilespmem:$0x18600] =	vst v63  }
0x13: {  	_ =	swait.ge [sflag:s12], $0x100  }
0x14: {  	[sflag:s12] =	ssyncset.done $0x0  }
0x15: {  	[sflag:s12] =	ssyncadd.s32 $0xFFFFFF00  }
0x16: {  	[tilespmem:s14], [sflag:$0x1] =	stream.indirect.gather [hbm4b:s4+s13], $0x80, s3, s13, $0xb8;
	[tilespmem:$0x18600] =	vst v63  }
0x17: {  	_ =	swait.ge [sflag:s15], $0x4000  }
0x18: {  	[sflag:s15] =	ssyncset.done $0x0  }
0x19: {  	[sflag:s15] =	ssyncadd.s32 $0xFFFFC000  }
0x1a: {  	[tilespmem:s16], [sflag:$0x1] =	stream.indirect.gather [hbm4b:s4+s13], $0x80, s13, s13, $0xb8;
	[tilespmem:$0x18600] =	vst v63  }
0x1b: {  	_ =	swait.ge [sflag:s15], $0x4000  }
0x1c: {  	[sflag:s15] =	ssyncset.done $0x0  }
0x1d: {  	[sflag:s15] =	ssyncadd.s32 $0xFFFFC000  }
0x1e: {  	[tilespmem:s17], [sflag:$0x2] =	stream.linear.gather [hbm4b:s6+s3], $0x8000, $0x38;
	[tilespmem:$0x18600] =	vst v63  }
0x1f: {  	_ =	swait.ge [sflag:s12], $0x8000  }
0x20: {  	[sflag:s12] =	ssyncset.done $0x0  }
0x21: {  	[sflag:s12] =	ssyncadd.s32 $0xFFFF8000  }
0x22: {  	[tilespmem:$0x18100] =	vst v1  }
0x23: {  	[tilespmem:$0x18110] =	vst v1  }
0x24: {  	[tilespmem:$0x18120] =	vst v1  }
0x25: {  	[tilespmem:$0x18130] =	vst v1  }
0x26: {  	[tilespmem:$0x18140] =	vst v1  }
0x27: {  	[tilespmem:$0x18150] =	vst v1  }
0x28: {  	[tilespmem:$0x18160] =	vst v1  }
0x29: {  	[tilespmem:$0x18170] =	vst v1  }
0x2a: {  	[tilespmem:$0x18180] =	vst v1  }
0x2b: {  	[tilespmem:$0x18190] =	vst v1  }
0x2c: {  	[tilespmem:$0x181A0] =	vst v1  }
0x2d: {  	[tilespmem:$0x181B0] =	vst v1  }
0x2e: {  	[tilespmem:$0x181C0] =	vst v1  }
0x2f: {  	[tilespmem:$0x181D0] =	vst v1  }
0x30: {  	[tilespmem:$0x181E0] =	vst v1  }
0x31: {  	[tilespmem:$0x181F0] =	vst v1  }
0x32: {  	[tilespmem:$0x18200] =	vst v1  }
0x33: {  	[tilespmem:$0x18210] =	vst v1  }
0x34: {  	[tilespmem:$0x18220] =	vst v1  }
0x35: {  	[tilespmem:$0x18230] =	vst v1  }
0x36: {  	[tilespmem:$0x18240] =	vst v1  }
0x37: {  	[tilespmem:$0x18250] =	vst v1  }
0x38: {  	[tilespmem:$0x18260] =	vst v1  }
0x39: {  	[tilespmem:$0x18270] =	vst v1  }
0x3a: {  	[tilespmem:$0x18280] =	vst v1  }
0x3b: {  	[tilespmem:$0x18290] =	vst v1  }
0x3c: {  	[tilespmem:$0x182A0] =	vst v1  }
0x3d: {  	[tilespmem:$0x182B0] =	vst v1  }
0x3e: {  	[tilespmem:$0x182C0] =	vst v1  }
0x3f: {  	[tilespmem:$0x182D0] =	vst v1  }
0x40: {  	[tilespmem:$0x182E0] =	vst v1  }
0x41: {  	[tilespmem:$0x182F0] =	vst v1  }
0x42: {  	[tilespmem:$0x18300] =	vst v0  }
0x43: {  	[tilespmem:$0x18310] =	vst v0  }
0x44: {  	[tilespmem:$0x18320] =	vst v0  }
0x45: {  	[tilespmem:$0x18330] =	vst v0  }
0x46: {  	[tilespmem:$0x18340] =	vst v0  }
0x47: {  	[tilespmem:$0x18350] =	vst v0  }
0x48: {  	[tilespmem:$0x18360] =	vst v0  }
0x49: {  	[tilespmem:$0x18370] =	vst v0  }
0x4a: {  	[spmem:s7] =	stream.linear.scatter [tilespmem:s18], [sflag:$0x2], $0x200, $0x38;
	[tilespmem:$0x18600] =	vst v63  }
0x4b: {  	_ =	swait.ge [sflag:s12], $0x200  }
0x4c: {  	[sflag:s12] =	ssyncset.done $0x0  }
0x4d: {  	[sflag:s12] =	ssyncadd.s32 $0xFFFFFE00  }
0x4e: {  	[bflag:$0x0] =	sbarrier.arrive $0xFFFF  }
0x4f: {  	[spmem:s2] =	stream.indirect.scatter.add.f32 [tilespmem:s19], [sflag:$0x2], $0x1, s3, s13, $0xb8;
	[tilespmem:$0x18600] =	vst v63  }
0x50: {  	_ =	swait.ge [sflag:s12], $0x80  }
0x51: {  	[sflag:s12] =	ssyncset.done $0x0  }
0x52: {  	[sflag:s12] =	ssyncadd.s32 $0xFFFFFF80  }
0x53: {  	[spmem:s2] =	stream.indirect.scatter.add.f32 [tilespmem:s19], [sflag:$0x2], $0x1, s13, s13, $0xb8;
	[tilespmem:$0x18600] =	vst v63  }
0x54: {  	_ =	swait.ge [sflag:s12], $0x80  }
0x55: {  	[sflag:s12] =	ssyncset.done $0x0  }
0x56: {  	s25 =	simm.s32 $0x0;
	[sflag:s12] =	ssyncadd.s32 $0xFFFFFF80  }
0x57: {  	v2 =	vld [tilespmem:s25+$0x100];
	_ =	sdelay $0x1  }
0x58: {  	v3 =	vld [tilespmem:s25+$0x110];
	_ =	sdelay $0x1  }
0x59: {  	s23 =	simm.s32 $0x80;
	v4 =	vld [tilespmem:s25+$0x8100]  }
0x5a: {  	v9 =	vld [tilespmem:s23+$0x110];
	v5 =	vshrl.u32 v2, $0x10  }
0x5b: {  	v6 =	vld [tilespmem:s23+$0x100];
	v5 =	vand.u32 $0x1, v5  }
0x5c: {  	v10 =	vld [tilespmem:s25+$0x8110];
	v7 =	vshrl.u32 v3, $0x10;
	v2 =	vadd.s32 v5, v2  }
0x5d: {  	v5 =	vand.u32 $0x1, v7;
	v2 =	vadd.s32 $0x7FFF, v2  }
0x5e: {  	v3 =	vadd.s32 v5, v3;
	v2 =	vand.u32 $0xFFFF0000, v2  }
0x5f: {  	s24 =	simm.s32 $0x100;
	v3 =	vadd.s32 $0x7FFF, v3;
	v7 =	vsub.f32 v2, v4;
	v2 =	vld [tilespmem:s23+$0x8100]  }
0x60: {  	v8 =	vshrl.u32 v9, $0x10;
	v5 =	vshrl.u32 v6, $0x10;
	v11 =	vand.u32 $0xFFFF0000, v3;
	v3 =	vld [tilespmem:s24+$0x110]  }
0x61: {  	v12 =	vand.u32 $0x1, v5;
	v5 =	vld [tilespmem:s24+$0x100];
	v11 =	vsub.f32 v11, v10;
	v13 =	vmul.f32 v7, v7  }
0x62: {  	v63 =	vand.u32 $0x1, v8;
	v6 =	vadd.s32 v12, v6;
	v14 =	vadd.f32 v7, v4;
	v4 =	vld [tilespmem:s23+$0x8110]  }
0x63: {  	v8 =	vadd.s32 $0x7FFF, v6;
	v7 =	vmul.f32 v11, v11;
	v6 =	vadd.f32 v13, v1  }
0x64: {  	s26 =	simm.s32 $0x600;
	v9 =	vadd.s32 v63, v9;
	v8 =	vand.u32 $0xFFFF0000, v8;
	v10 =	vadd.f32 v11, v10;
	[tilespmem:s25+$0x10100] =	vst v14  }
.LBB2_2:
0x65: {  	s28 =	sshra.s32 s26, $0x2;
	v11 =	vld [tilespmem:s24+$0x8100];
	v8 =	vsub.f32 v8, v2;
	v16 =	vadd.s32 $0x7FFF, v9;
	v6 =	vadd.f32 v7, v6;
	v12 =	vmovc v3;
	p0 =	sne.s32 s26, $0x1FE00  }
.Ltmp0:
0x66: {  	s26 =	sadd.s32 $0x200, s26;
	v3 =	vld [tilespmem:s28+$0x110];
	v7 =	vshrl.u32 v5, $0x10;
	v13 =	vshrl.u32 v12, $0x10;
	v16 =	vand.u32 $0xFFFF0000, v16;
	[tilespmem:s25+$0x10110] =	vst v10;
	(pc) =	sbr.rel @p0 .LBB2_2-.Ltmp0, $4  }
0x67: {  	v9 =	vmovc v5;
	s25 =	smov.u32 s23;
	s23 =	smov.u32 s24;
	s24 =	smov.u32 s28;
	v7 =	vand.u32 $0x1, v7;
	v10 =	vmul.f32 v8, v8;
	v14 =	vsub.f32 v16, v4;
	v5 =	vld [tilespmem:s28+$0x100];
	v15 =	vmovc v4  }
0x68: {  	v7 =	vadd.s32 v7, v9;
	v4 =	vld [tilespmem:s23+$0x8110];
	v9 =	vand.u32 $0x1, v13;
	v13 =	vadd.f32 v8, v2  }
0x69: {  	v8 =	vadd.s32 $0x7FFF, v7;
	v6 =	vadd.f32 v10, v6;
	v7 =	vmul.f32 v14, v14  }
0x6a: {  	v9 =	vadd.s32 v9, v12;
	v10 =	vadd.f32 v14, v15;
	v8 =	vand.u32 $0xFFFF0000, v8;
	[tilespmem:s25+$0x10100] =	vst v13;
	v2 =	vmovc v11  }
0x6b: {  	_ = 	snop  }
0x6c: {  	v11 =	vld [tilespmem:s24+$0x8100];
	v12 =	vshrl.u32 v5, $0x10;
	[tilespmem:s25+$0x10110] =	vst v10  }
0x6d: {  	v57 =	vshrl.u32 v3, $0x10;
	v8 =	vsub.f32 v8, v2;
	v56 =	vand.u32 $0x1, v12;
	v59 =	vld [tilespmem:s24+$0x8110]  }
0x6e: {  	v9 =	vadd.s32 $0x7FFF, v9;
	v12 =	vand.u32 $0x1, v57;
	v58 =	vadd.s32 v56, v5  }
0x6f: {  	v9 =	vand.u32 $0xFFFF0000, v9;
	v3 =	vadd.s32 v12, v3;
	v5 =	vadd.s32 $0x7FFF, v58  }
0x70: {  	v9 =	vsub.f32 v9, v4;
	v3 =	vadd.s32 $0x7FFF, v3;
	v5 =	vand.u32 $0xFFFF0000, v5  }
0x71: {  	v2 =	vadd.f32 v8, v2;
	v3 =	vand.u32 $0xFFFF0000, v3;
	v5 =	vsub.f32 v5, v11  }
0x72: {  	v4 =	vadd.f32 v9, v4;
	v3 =	vsub.f32 v3, v59  }
0x73: {  	[tilespmem:s23+$0x10100] =	vst v2;
	v2 =	vadd.f32 v5, v11  }
0x74: {  	v6 =	vadd.f32 v7, v6;
	v60 =	vmul.f32 v8, v8;
	[tilespmem:s23+$0x10110] =	vst v4;
	v61 =	vadd.f32 v3, v59  }
0x75: {  	[tilespmem:s24+$0x10100] =	vst v2  }
0x76: {  	v62 =	vmul.f32 v9, v9;
	v2 =	vadd.f32 v60, v6;
	[tilespmem:s24+$0x10110] =	vst v61  }
0x77: {  	[tilespmem:$0x18390] =	vst v1  }
0x78: {  	v63 =	vmul.f32 v5, v5;
	v2 =	vadd.f32 v62, v2;
	[tilespmem:$0x183A0] =	vst v1  }
0x79: {  	[tilespmem:$0x183B0] =	vst v1  }
0x7a: {  	v3 =	vmul.f32 v3, v3;
	[tilespmem:$0x183C0] =	vst v1;
	v2 =	vadd.f32 v63, v2  }
0x7b: {  	[tilespmem:$0x183D0] =	vst v1  }
0x7c: {  	[tilespmem:$0x183E0] =	vst v1;
	v2 =	vadd.f32 v3, v2  }
0x7d: {  	[tilespmem:$0x183F0] =	vst v1  }
0x7e: {  	[tilespmem:$0x18380] =	vst v2  }
0x7f: {  	[hbm4b:s8+s3] =	stream.linear.scatter [tilespmem:s20], [sflag:$0x2], $0x80, $0x38;
	[tilespmem:$0x18600] =	vst v63  }
0x80: {  	_ =	swait.ge [sflag:s12], $0x80  }
0x81: {  	[sflag:s12] =	ssyncset.done $0x0  }
0x82: {  	[sflag:s12] =	ssyncadd.s32 $0xFFFFFF80  }
0x83: {  	[hbm4b:s9+s3] =	stream.linear.scatter [tilespmem:s21], [sflag:$0x2], $0x8000, $0x38;
	[tilespmem:$0x18600] =	vst v63  }
0x84: {  	_ =	swait.ge [sflag:s12], $0x8000  }
0x85: {  	[sflag:s12] =	ssyncset.done $0x0  }
0x86: {  	[sflag:s12] =	ssyncadd.s32 $0xFFFF8000  }
0x87: {  	[bflag:$0x0] =	sbarrier.arrive $0xFFFF  }
0x88: {  	[tilespmem:s18], [sflag:$0x2] =	stream.linear.gather [spmem:s7], $0x200, $0x38;
	[tilespmem:$0x18600] =	vst v63  }
0x89: {  	s22 =	sadd.s32 $0x1, s22;
	_ =	swait.ge [sflag:s12], $0x200  }
0x8a: {  	p0 =	sne.s32 s22, s11;
	[sflag:s12] =	ssyncset.done $0x0  }
.Ltmp1:
0x8b: {  	[sflag:s12] =	ssyncadd.s32 $0xFFFFFE00;
	(pc) =	sbr.rel @p0 .LBB2_1-.Ltmp1, $4  }
0x8c: {  	[hbm4b:s10+s13] =	stream.strided.scatter [tilespmem:s18], [sflag:$0x2], $0x200, s14, s13, $0x38;
	[tilespmem:$0x18600] =	vst v63  }
0x8d: {  	_ =	swait.ge [sflag:s12], $0x200  }
0x8e: {  	[sflag:s12] =	ssyncset.done $0x0  }
0x8f: {  	[sflag:s12] =	ssyncadd.s32 $0xFFFFFE00  }
0x90: {  	_ =	sfence.sel $0x180000  }
0x91: {  	[bflag:$0x0] =	sbarrier.arrive $0xFFFF  }
0x92: {  	p0 =	sne.s32 s1, $0x0;
	_ =	strace $0x90000047  }
0x93: {  	s0 =	sadd.s32 @!p0 $0x100000, s0;
	[bflag:$0x2] =	sbarrier.arrive $0xFFFF  }
0x94: {  	[sflag:s0] =	ssyncadd.tile.s32 @!p0 $0x1;
	_ =	shalt  }
.Lfunc_end2:
_tile_overlayer_lowered:
.L_overlay_start_2:
0x95: {  	(tag) =	ssettag $0x2  }
0x96: {  	s0 =	rddreg [dreg:$0x0];
	s2 =	stileid.u32  }
0x97: {  	s1 =	rddreg [dreg:$0x1];
	p0 =	sne.s32 s2, $0x0  }
0x98: {  	s3 =	rddreg [dreg:$0x2];
	[bflag:$0x3] =	sbarrier.arrive $0xFFFF;
	s2 =	simm.s32 @!p0 $0x1C02  }
0x99: {  	[timem:s3], [sflag:s2] =	dma.local @!p0 [hbm:s0], s1  }
0x9a: {  	s0 =	simm.s32 @!p0 $0x2  }
0x9b: {  	_ =	swait.ge @!p0 [sflag:s0], s1  }
0x9c: {  	s1 =	ssub.s32 @!p0 $0x0, s1;
	[sflag:s0] =	ssyncset.done @!p0 $0x0  }
0x9d: {  	[sflag:s0] =	ssyncadd.s32 @!p0 s1  }
0x9e: {  	[bflag:$0x3] =	sbarrier.arrive $0xFFFF  }
0x9f: {  	_ =	shalt  }

</sc_bundles>
